<compile_context>
chip_gen: v7x
topology: tpu7x:2x2x1
jax: 0.10.2.dev20260603
libtpu: 0.0.44.dev20260713+nightly
codegen_flags: <defaults>
</compile_context>

<pallas_src>
import functools

import jax
import jax.numpy as jnp
from jax import lax
from jax.experimental import pallas as pl
from jax.experimental.pallas import tpu as pltpu
from jax.experimental.pallas import tpu_sc as plsc

_D = 1024
_L = 16
_NC = 2
_NS = 16
_NW = _NC * _NS
_ROWS = 4 * 8192

_SC_ROWS = 8192
_TC_ROWS = _ROWS - _SC_ROWS
_SC_BASE = _TC_ROWS

_RPW = _SC_ROWS // _NW
_CHUNK = 16
_NCHUNK = _RPW // _CHUNK

_TC_BLOCK = 1024
_JU = 8



_GATHER_DNUMS = lax.GatherDimensionNumbers(
    offset_dims=(), collapsed_slice_dims=(0,), start_index_map=(0,))


def _shuffle(v, idx):
    return lax.gather(v, idx[:, None], _GATHER_DNUMS, slice_sizes=(1,),
                      mode=lax.GatherScatterMode.PROMISE_IN_BOUNDS)


def _allsum(v):
    for sh in (1, 2, 4, 8):
        idx = lax.iota(jnp.int32, _L) ^ sh
        v = v + _shuffle(v, idx)
    return v


def _row_block(numv, cntv, xrb, xb):

    def row(r, carry):
        numv, cntv = carry

        def jblk(jo, c2):
            rs, dv = c2
            for ji in range(_JU):
                off = jo * (_JU * _L) + ji * _L
                xv = xb[r, pl.ds(off, _L)]
                rv = xrb[r, pl.ds(off, _L)]
                rs = rs + xv
                dv = dv + jnp.abs(rv - xv)
            return rs, dv

        zero = jnp.zeros((_L,), jnp.float32)
        rs, dv = lax.fori_loop(0, _D // (_JU * _L), jblk, (zero, zero))
        tot = _allsum(rs)
        w = jnp.sign(tot)
        w = w * w
        numv = numv + dv * w
        cntv = cntv + w
        return numv, cntv

    return lax.fori_loop(0, _CHUNK, row, (numv, cntv))


_mesh = plsc.VectorSubcoreMesh(core_axis_name="c", subcore_axis_name="s")


@functools.partial(
    pl.kernel,
    mesh=_mesh,
    out_type=jax.ShapeDtypeStruct((2 * _NW, _L), jnp.float32),
    scratch_types=[
        pltpu.VMEM((_CHUNK, _D), jnp.float32),
        pltpu.VMEM((_CHUNK, _D), jnp.float32),
        pltpu.VMEM((_CHUNK, _D), jnp.float32),
        pltpu.VMEM((_CHUNK, _D), jnp.float32),
        pltpu.VMEM((_L,), jnp.float32),
        pltpu.VMEM((_L,), jnp.float32),
        pltpu.SemaphoreType.DMA,
        pltpu.SemaphoreType.DMA,
        pltpu.SemaphoreType.DMA,
        pltpu.SemaphoreType.DMA,
    ],
)
def _sc_loss(xr_hbm, x_hbm, out_hbm,
             xr0, x0, xr1, x1, numst, cntst, s0, s1, s2, s3):
    wid = lax.axis_index("s") * _NC + lax.axis_index("c")
    base = _SC_BASE + wid * _RPW
    bufs = ((xr0, x0, s0, s1), (xr1, x1, s2, s3))

    def start(c, b):
        xrb, xb, sa, sb = bufs[b]
        r0 = base + c * _CHUNK
        pltpu.make_async_copy(xr_hbm.at[pl.ds(r0, _CHUNK), :], xrb, sa).start()
        pltpu.make_async_copy(x_hbm.at[pl.ds(r0, _CHUNK), :], xb, sb).start()

    def wait(b):
        xrb, xb, sa, sb = bufs[b]
        pltpu.make_async_copy(xr_hbm.at[pl.ds(0, _CHUNK), :], xrb, sa).wait()
        pltpu.make_async_copy(x_hbm.at[pl.ds(0, _CHUNK), :], xb, sb).wait()

    start(0, 0)

    def body(i, carry):
        numv, cntv = carry
        start(2 * i + 1, 1)
        wait(0)
        numv, cntv = _row_block(numv, cntv, xr0, x0)

        @pl.when(i < _NCHUNK // 2 - 1)
        def _():
            start(2 * i + 2, 0)

        wait(1)
        numv, cntv = _row_block(numv, cntv, xr1, x1)
        return numv, cntv

    numv = jnp.zeros((_L,), jnp.float32)
    cntv = jnp.zeros((_L,), jnp.float32)
    numv, cntv = lax.fori_loop(0, _NCHUNK // 2, body, (numv, cntv))

    numst[...] = numv
    cntst[...] = cntv
    pltpu.sync_copy(numst, out_hbm.at[wid])
    pltpu.sync_copy(cntst, out_hbm.at[_NW + wid])



def _tc_loss_kernel(xr_ref, x_ref, num_ref, cnt_ref):
    step = pl.program_id(0)

    @pl.when(step == 0)
    def _init():
        num_ref[0, 0] = 0.0
        cnt_ref[0, 0] = 0.0

    x = x_ref[...]
    xr = xr_ref[...]
    row_sum = jnp.sum(x, axis=1)
    mask = (row_sum != 0).astype(jnp.float32)
    absdiff_row = jnp.sum(jnp.abs(xr - x), axis=1)
    num_ref[0, 0] += jnp.sum(absdiff_row * mask)
    cnt_ref[0, 0] += jnp.sum(mask)


def _tc_loss(xr2, x2):
    return pl.pallas_call(
        _tc_loss_kernel,
        grid=(_TC_ROWS // _TC_BLOCK,),
        in_specs=[
            pl.BlockSpec((_TC_BLOCK, _D), lambda i: (i, 0)),
            pl.BlockSpec((_TC_BLOCK, _D), lambda i: (i, 0)),
        ],
        out_specs=[
            pl.BlockSpec((1, 1), lambda i: (0, 0), memory_space=pltpu.SMEM),
            pl.BlockSpec((1, 1), lambda i: (0, 0), memory_space=pltpu.SMEM),
        ],
        out_shape=[
            jax.ShapeDtypeStruct((1, 1), jnp.float32),
            jax.ShapeDtypeStruct((1, 1), jnp.float32),
        ],
        compiler_params=pltpu.CompilerParams(
            dimension_semantics=("arbitrary",),
        ),
    )(xr2, x2)


def kernel(x_rec, x):
    margin = 0.5
    B, L, D = x.shape
    xr2 = x_rec.reshape(B * L, D)
    x2 = x.reshape(B * L, D)
    sc_part = _sc_loss(xr2, x2)
    num_tc, cnt_tc = _tc_loss(xr2, x2)
    p = jnp.sum(sc_part.reshape(2, _NW * _L), axis=1)
    num = num_tc[0, 0] + p[0]
    cnt = cnt_tc[0, 0] + p[1] / _L
    return num / (cnt * D) + margin

# --- scband reference (transcript-rebuilt; emitter-appended) ---
"""Pipeline reference for scband-reconstruction-loss-26482768347301 (READ-ONLY COPY).

The authoritative reference and input builder live on the scoring server;
editing this copy changes nothing except your own understanding.
"""

import jax, jax.numpy as jnp
import numpy as np


def setup_inputs(seed: int = 0) -> dict:
    key = jax.random.key(seed)
    k1, k2 = jax.random.split(key)
    x_rec = jax.random.normal(k1, (4, 8192, 1024), dtype=jnp.float32)
    x = jax.random.normal(k2, (4, 8192, 1024), dtype=jnp.float32)
    return {"x_rec": x_rec, "x": x}


def reference(x_rec, x):
    margin = 0.5
    # torch.nonzero(x.sum(-1)) selects (batch, idx) rows whose feature-sum is nonzero.
    # Equivalent masked formulation (indices are constants w.r.t. gradients):
    mask = (jnp.sum(x, axis=-1) != 0)  # [B, L] bool
    mask_f = mask.astype(x.dtype)
    diff = jnp.abs(x_rec - x)  # [B, L, D]
    cnt_rows = jnp.sum(mask_f)
    D = x.shape[-1]
    # nn.L1Loss() -> mean over all selected elements = selected rows * D features
    dis = jnp.sum(diff * mask_f[..., None]) / (cnt_rows * D)
    # torch.mean(dis, dim=0) on a 0-d tensor is identity
    return dis + margin

if __name__ == "__main__":
    import jax
    _d = setup_inputs()
    print(jax.jit(kernel)(*tuple(_d.values())))

</pallas_src>

<mosaic_0001>
#map = affine_map<(d0, d1) -> (0, 0)>
module attributes {stable_mosaic.version = 14 : i64} {
  func.func @_sc_loss(%arg0: i32, %arg1: i32, %arg2: memref<32768x1024xf32, #tpu.memory_space<hbm>>, %arg3: memref<32768x1024xf32, #tpu.memory_space<hbm>>, %arg4: memref<64x16xf32, #tpu.memory_space<hbm>>, %arg5: memref<16x1024xf32, #tpu.memory_space<vmem>>, %arg6: memref<16x1024xf32, #tpu.memory_space<vmem>>, %arg7: memref<16x1024xf32, #tpu.memory_space<vmem>>, %arg8: memref<16x1024xf32, #tpu.memory_space<vmem>>, %arg9: memref<16xf32, #tpu.memory_space<vmem>>, %arg10: memref<16xf32, #tpu.memory_space<vmem>>, %arg11: memref<!tpu.dma_semaphore, #tpu.memory_space<semaphore_mem>>, %arg12: memref<!tpu.dma_semaphore, #tpu.memory_space<semaphore_mem>>, %arg13: memref<!tpu.dma_semaphore, #tpu.memory_space<semaphore_mem>>, %arg14: memref<!tpu.dma_semaphore, #tpu.memory_space<semaphore_mem>>) attributes {dimension_semantics = [#tpu.dimension_semantics<core_parallel>, #tpu.dimension_semantics<subcore_parallel>], iteration_bounds = array<i64: 2, 16>, scalar_prefetch = 0 : i64, scratch_operands = 10 : i64, tpu.core_type = #tpu.core_type<sc_vector_subcore>, window_params = [{transform_indices = #map}, {transform_indices = #map}, {transform_indices = #map}]} {
    %mul3A = arith.constant 2 : i32
    %mul3A_0 = arith.muli %arg1, %mul3A : i32
    %add3A = arith.addi %mul3A_0, %arg0 : i32
    %mul3A_1 = arith.constant 256 : i32
    %mul3A_2 = arith.muli %add3A, %mul3A_1 : i32
    %add3A_3 = arith.constant 24576 : i32
    %add3A_4 = arith.addi %add3A_3, %mul3A_2 : i32
    %add3A_5 = arith.constant 0 : i32
    %add3A_6 = arith.addi %add3A_4, %add3A_5 : i32
    %dma_start3A = arith.constant 0 : i32
    %dma_start3A_7 = tpu.memref_slice %arg2[%add3A_6, %dma_start3A] : memref<32768x1024xf32, #tpu.memory_space<hbm>> -> memref<16x1024xf32, #tpu.memory_space<hbm>>
    %dma_start3A_8 = arith.constant 0 : i32
    %dma_start3A_9 = tpu.memref_slice %arg2[%add3A_6, %dma_start3A_8] : memref<32768x1024xf32, #tpu.memory_space<hbm>> -> memref<16x1024xf32, #tpu.memory_space<hbm>>
    tpu.enqueue_dma source(%dma_start3A_9 : memref<16x1024xf32, #tpu.memory_space<hbm>>) target(%arg5 : memref<16x1024xf32, #tpu.memory_space<vmem>>) target_semaphore(%arg11 : memref<!tpu.dma_semaphore, #tpu.memory_space<semaphore_mem>>)
    %dma_start3A_10 = arith.constant 0 : i32
    %dma_start3A_11 = tpu.memref_slice %arg3[%add3A_6, %dma_start3A_10] : memref<32768x1024xf32, #tpu.memory_space<hbm>> -> memref<16x1024xf32, #tpu.memory_space<hbm>>
    %dma_start3A_12 = arith.constant 0 : i32
    %dma_start3A_13 = tpu.memref_slice %arg3[%add3A_6, %dma_start3A_12] : memref<32768x1024xf32, #tpu.memory_space<hbm>> -> memref<16x1024xf32, #tpu.memory_space<hbm>>
    tpu.enqueue_dma source(%dma_start3A_13 : memref<16x1024xf32, #tpu.memory_space<hbm>>) target(%arg6 : memref<16x1024xf32, #tpu.memory_space<vmem>>) target_semaphore(%arg12 : memref<!tpu.dma_semaphore, #tpu.memory_space<semaphore_mem>>)
    %broadcast_in_dim3A = arith.constant 0.000000e+00 : f32
    %broadcast_in_dim3A_14 = vector.broadcast %broadcast_in_dim3A : f32 to vector<16xf32>
    %broadcast_in_dim3A_15 = arith.constant 0.000000e+00 : f32
    %broadcast_in_dim3A_16 = vector.broadcast %broadcast_in_dim3A_15 : f32 to vector<16xf32>
    %scan3A = arith.constant 0 : i32
    %scan3A_17 = arith.constant 8 : i32
    %scan3A_18 = arith.addi %scan3A, %scan3A_17 : i32
    %scan3A_19 = arith.constant 1 : i32
    %scan3A_20:2 = scf.for %scan3A_31 = %scan3A to %scan3A_18 step %scan3A_19 iter_args(%scan3A_32 = %broadcast_in_dim3A_14, %scan3A_33 = %broadcast_in_dim3A_16) -> (vector<16xf32>, vector<16xf32>)  : i32 {
      %mul3A_34 = arith.constant 2 : i32
      %mul3A_35 = arith.muli %mul3A_34, %scan3A_31 : i32
      %add3A_36 = arith.constant 1 : i32
      %add3A_37 = arith.addi %mul3A_35, %add3A_36 : i32
      %mul3A_38 = arith.constant 16 : i32
      %mul3A_39 = arith.muli %add3A_37, %mul3A_38 : i32
      %add3A_40 = arith.addi %add3A_4, %mul3A_39 : i32
      %dma_start3A_41 = arith.constant 0 : i32
      %dma_start3A_42 = tpu.memref_slice %arg2[%add3A_40, %dma_start3A_41] : memref<32768x1024xf32, #tpu.memory_space<hbm>> -> memref<16x1024xf32, #tpu.memory_space<hbm>>
      %dma_start3A_43 = arith.constant 0 : i32
      %dma_start3A_44 = tpu.memref_slice %arg2[%add3A_40, %dma_start3A_43] : memref<32768x1024xf32, #tpu.memory_space<hbm>> -> memref<16x1024xf32, #tpu.memory_space<hbm>>
      tpu.enqueue_dma source(%dma_start3A_44 : memref<16x1024xf32, #tpu.memory_space<hbm>>) target(%arg7 : memref<16x1024xf32, #tpu.memory_space<vmem>>) target_semaphore(%arg13 : memref<!tpu.dma_semaphore, #tpu.memory_space<semaphore_mem>>)
      %dma_start3A_45 = arith.constant 0 : i32
      %dma_start3A_46 = tpu.memref_slice %arg3[%add3A_40, %dma_start3A_45] : memref<32768x1024xf32, #tpu.memory_space<hbm>> -> memref<16x1024xf32, #tpu.memory_space<hbm>>
      %dma_start3A_47 = arith.constant 0 : i32
      %dma_start3A_48 = tpu.memref_slice %arg3[%add3A_40, %dma_start3A_47] : memref<32768x1024xf32, #tpu.memory_space<hbm>> -> memref<16x1024xf32, #tpu.memory_space<hbm>>
      tpu.enqueue_dma source(%dma_start3A_48 : memref<16x1024xf32, #tpu.memory_space<hbm>>) target(%arg8 : memref<16x1024xf32, #tpu.memory_space<vmem>>) target_semaphore(%arg14 : memref<!tpu.dma_semaphore, #tpu.memory_space<semaphore_mem>>)
      %dma_wait3A = arith.constant 0 : i32
      %dma_wait3A_49 = arith.constant 0 : i32
      %dma_wait3A_50 = tpu.memref_slice %arg2[%dma_wait3A, %dma_wait3A_49] : memref<32768x1024xf32, #tpu.memory_space<hbm>> -> memref<16x1024xf32, #tpu.memory_space<hbm>>
      %dma_wait3A_51 = arith.constant 0 : i32
      %dma_wait3A_52 = arith.constant 0 : i32
      %dma_wait3A_53 = tpu.memref_slice %arg2[%dma_wait3A_51, %dma_wait3A_52] : memref<32768x1024xf32, #tpu.memory_space<hbm>> -> memref<16x1024xf32, #tpu.memory_space<hbm>>
      tpu.wait_dma2 semaphore(%arg11 : memref<!tpu.dma_semaphore, #tpu.memory_space<semaphore_mem>>) src(%dma_wait3A_53 : memref<16x1024xf32, #tpu.memory_space<hbm>>) dst(%arg5 : memref<16x1024xf32, #tpu.memory_space<vmem>>)
      %dma_wait3A_54 = arith.constant 0 : i32
      %dma_wait3A_55 = arith.constant 0 : i32
      %dma_wait3A_56 = tpu.memref_slice %arg3[%dma_wait3A_54, %dma_wait3A_55] : memref<32768x1024xf32, #tpu.memory_space<hbm>> -> memref<16x1024xf32, #tpu.memory_space<hbm>>
      %dma_wait3A_57 = arith.constant 0 : i32
      %dma_wait3A_58 = arith.constant 0 : i32
      %dma_wait3A_59 = tpu.memref_slice %arg3[%dma_wait3A_57, %dma_wait3A_58] : memref<32768x1024xf32, #tpu.memory_space<hbm>> -> memref<16x1024xf32, #tpu.memory_space<hbm>>
      tpu.wait_dma2 semaphore(%arg12 : memref<!tpu.dma_semaphore, #tpu.memory_space<semaphore_mem>>) src(%dma_wait3A_59 : memref<16x1024xf32, #tpu.memory_space<hbm>>) dst(%arg6 : memref<16x1024xf32, #tpu.memory_space<vmem>>)
      %scan3A_60 = arith.constant 0 : i32
      %scan3A_61 = arith.constant 16 : i32
      %scan3A_62 = arith.addi %scan3A_60, %scan3A_61 : i32
      %scan3A_63 = arith.constant 1 : i32
      %scan3A_64:2 = scf.for %scan3A_86 = %scan3A_60 to %scan3A_62 step %scan3A_63 iter_args(%scan3A_87 = %scan3A_32, %scan3A_88 = %scan3A_33) -> (vector<16xf32>, vector<16xf32>)  : i32 {
        %broadcast_in_dim3A_89 = arith.constant 0.000000e+00 : f32
        %broadcast_in_dim3A_90 = vector.broadcast %broadcast_in_dim3A_89 : f32 to vector<16xf32>
        %scan3A_91 = arith.constant 0 : i32
        %scan3A_92 = arith.constant 8 : i32
        %scan3A_93 = arith.addi %scan3A_91, %scan3A_92 : i32
        %scan3A_94 = arith.constant 1 : i32
        %scan3A_95:2 = scf.for %scan3A_142 = %scan3A_91 to %scan3A_93 step %scan3A_94 iter_args(%scan3A_143 = %broadcast_in_dim3A_90, %scan3A_144 = %broadcast_in_dim3A_90) -> (vector<16xf32>, vector<16xf32>)  : i32 {
          %mul3A_145 = arith.constant 128 : i32
          %mul3A_146 = arith.muli %scan3A_142, %mul3A_145 : i32
          %add3A_147 = arith.constant 0 : i32
          %add3A_148 = arith.addi %mul3A_146, %add3A_147 : i32
          %get3A = arith.index_cast %scan3A_86 : i32 to index
          %get3A_149 = arith.index_cast %add3A_148 : i32 to index
          %get3A_150 = tpu.vector_load %arg6[%get3A, %get3A_149] {strides = array<i32>} : memref<16x1024xf32, #tpu.memory_space<vmem>>, vector<1x16xf32>,
          %get3A_151 = vector.shape_cast %get3A_150 : vector<1x16xf32> to vector<16xf32>
          %get3A_152 = arith.index_cast %scan3A_86 : i32 to index
          %get3A_153 = arith.index_cast %add3A_148 : i32 to index
          %get3A_154 = tpu.vector_load %arg5[%get3A_152, %get3A_153] {strides = array<i32>} : memref<16x1024xf32, #tpu.memory_space<vmem>>, vector<1x16xf32>,
          %get3A_155 = vector.shape_cast %get3A_154 : vector<1x16xf32> to vector<16xf32>
          %add3A_156 = arith.addf %scan3A_143, %get3A_151 : vector<16xf32>
          %sub3A = arith.subf %get3A_155, %get3A_151 : vector<16xf32>
          %abs3A = math.absf %sub3A : vector<16xf32>
          %add3A_157 = arith.addf %scan3A_144, %abs3A : vector<16xf32>
          %mul3A_158 = arith.constant 128 : i32
          %mul3A_159 = arith.muli %scan3A_142, %mul3A_158 : i32
          %add3A_160 = arith.constant 16 : i32
          %add3A_161 = arith.addi %mul3A_159, %add3A_160 : i32
          %get3A_162 = arith.index_cast %scan3A_86 : i32 to index
          %get3A_163 = arith.index_cast %add3A_161 : i32 to index
          %get3A_164 = tpu.vector_load %arg6[%get3A_162, %get3A_163] {strides = array<i32>} : memref<16x1024xf32, #tpu.memory_space<vmem>>, vector<1x16xf32>,
          %get3A_165 = vector.shape_cast %get3A_164 : vector<1x16xf32> to vector<16xf32>
          %get3A_166 = arith.index_cast %scan3A_86 : i32 to index
          %get3A_167 = arith.index_cast %add3A_161 : i32 to index
          %get3A_168 = tpu.vector_load %arg5[%get3A_166, %get3A_167] {strides = array<i32>} : memref<16x1024xf32, #tpu.memory_space<vmem>>, vector<1x16xf32>,
          %get3A_169 = vector.shape_cast %get3A_168 : vector<1x16xf32> to vector<16xf32>
          %add3A_170 = arith.addf %add3A_156, %get3A_165 : vector<16xf32>
          %sub3A_171 = arith.subf %get3A_169, %get3A_165 : vector<16xf32>
          %abs3A_172 = math.absf %sub3A_171 : vector<16xf32>
          %add3A_173 = arith.addf %add3A_157, %abs3A_172 : vector<16xf32>
          %mul3A_174 = arith.constant 128 : i32
          %mul3A_175 = arith.muli %scan3A_142, %mul3A_174 : i32
          %add3A_176 = arith.constant 32 : i32
          %add3A_177 = arith.addi %mul3A_175, %add3A_176 : i32
          %get3A_178 = arith.index_cast %scan3A_86 : i32 to index
          %get3A_179 = arith.index_cast %add3A_177 : i32 to index
          %get3A_180 = tpu.vector_load %arg6[%get3A_178, %get3A_179] {strides = array<i32>} : memref<16x1024xf32, #tpu.memory_space<vmem>>, vector<1x16xf32>,
          %get3A_181 = vector.shape_cast %get3A_180 : vector<1x16xf32> to vector<16xf32>
          %get3A_182 = arith.index_cast %scan3A_86 : i32 to index
          %get3A_183 = arith.index_cast %add3A_177 : i32 to index
          %get3A_184 = tpu.vector_load %arg5[%get3A_182, %get3A_183] {strides = array<i32>} : memref<16x1024xf32, #tpu.memory_space<vmem>>, vector<1x16xf32>,
          %get3A_185 = vector.shape_cast %get3A_184 : vector<1x16xf32> to vector<16xf32>
          %add3A_186 = arith.addf %add3A_170, %get3A_181 : vector<16xf32>
          %sub3A_187 = arith.subf %get3A_185, %get3A_181 : vector<16xf32>
          %abs3A_188 = math.absf %sub3A_187 : vector<16xf32>
          %add3A_189 = arith.addf %add3A_173, %abs3A_188 : vector<16xf32>
          %mul3A_190 = arith.constant 128 : i32
          %mul3A_191 = arith.muli %scan3A_142, %mul3A_190 : i32
          %add3A_192 = arith.constant 48 : i32
          %add3A_193 = arith.addi %mul3A_191, %add3A_192 : i32
          %get3A_194 = arith.index_cast %scan3A_86 : i32 to index
          %get3A_195 = arith.index_cast %add3A_193 : i32 to index
          %get3A_196 = tpu.vector_load %arg6[%get3A_194, %get3A_195] {strides = array<i32>} : memref<16x1024xf32, #tpu.memory_space<vmem>>, vector<1x16xf32>,
          %get3A_197 = vector.shape_cast %get3A_196 : vector<1x16xf32> to vector<16xf32>
          %get3A_198 = arith.index_cast %scan3A_86 : i32 to index
          %get3A_199 = arith.index_cast %add3A_193 : i32 to index
          %get3A_200 = tpu.vector_load %arg5[%get3A_198, %get3A_199] {strides = array<i32>} : memref<16x1024xf32, #tpu.memory_space<vmem>>, vector<1x16xf32>,
          %get3A_201 = vector.shape_cast %get3A_200 : vector<1x16xf32> to vector<16xf32>
          %add3A_202 = arith.addf %add3A_186, %get3A_197 : vector<16xf32>
          %sub3A_203 = arith.subf %get3A_201, %get3A_197 : vector<16xf32>
          %abs3A_204 = math.absf %sub3A_203 : vector<16xf32>
          %add3A_205 = arith.addf %add3A_189, %abs3A_204 : vector<16xf32>
          %mul3A_206 = arith.constant 128 : i32
          %mul3A_207 = arith.muli %scan3A_142, %mul3A_206 : i32
          %add3A_208 = arith.constant 64 : i32
          %add3A_209 = arith.addi %mul3A_207, %add3A_208 : i32
          %get3A_210 = arith.index_cast %scan3A_86 : i32 to index
          %get3A_211 = arith.index_cast %add3A_209 : i32 to index
          %get3A_212 = tpu.vector_load %arg6[%get3A_210, %get3A_211] {strides = array<i32>} : memref<16x1024xf32, #tpu.memory_space<vmem>>, vector<1x16xf32>,
          %get3A_213 = vector.shape_cast %get3A_212 : vector<1x16xf32> to vector<16xf32>
          %get3A_214 = arith.index_cast %scan3A_86 : i32 to index
          %get3A_215 = arith.index_cast %add3A_209 : i32 to index
          %get3A_216 = tpu.vector_load %arg5[%get3A_214, %get3A_215] {strides = array<i32>} : memref<16x1024xf32, #tpu.memory_space<vmem>>, vector<1x16xf32>,
          %get3A_217 = vector.shape_cast %get3A_216 : vector<1x16xf32> to vector<16xf32>
          %add3A_218 = arith.addf %add3A_202, %get3A_213 : vector<16xf32>
          %sub3A_219 = arith.subf %get3A_217, %get3A_213 : vector<16xf32>
          %abs3A_220 = math.absf %sub3A_219 : vector<16xf32>
          %add3A_221 = arith.addf %add3A_205, %abs3A_220 : vector<16xf32>
          %mul3A_222 = arith.constant 128 : i32
          %mul3A_223 = arith.muli %scan3A_142, %mul3A_222 : i32
          %add3A_224 = arith.constant 80 : i32
          %add3A_225 = arith.addi %mul3A_223, %add3A_224 : i32
          %get3A_226 = arith.index_cast %scan3A_86 : i32 to index
          %get3A_227 = arith.index_cast %add3A_225 : i32 to index
          %get3A_228 = tpu.vector_load %arg6[%get3A_226, %get3A_227] {strides = array<i32>} : memref<16x1024xf32, #tpu.memory_space<vmem>>, vector<1x16xf32>,
          %get3A_229 = vector.shape_cast %get3A_228 : vector<1x16xf32> to vector<16xf32>
          %get3A_230 = arith.index_cast %scan3A_86 : i32 to index
          %get3A_231 = arith.index_cast %add3A_225 : i32 to index
          %get3A_232 = tpu.vector_load %arg5[%get3A_230, %get3A_231] {strides = array<i32>} : memref<16x1024xf32, #tpu.memory_space<vmem>>, vector<1x16xf32>,
          %get3A_233 = vector.shape_cast %get3A_232 : vector<1x16xf32> to vector<16xf32>
          %add3A_234 = arith.addf %add3A_218, %get3A_229 : vector<16xf32>
          %sub3A_235 = arith.subf %get3A_233, %get3A_229 : vector<16xf32>
          %abs3A_236 = math.absf %sub3A_235 : vector<16xf32>
          %add3A_237 = arith.addf %add3A_221, %abs3A_236 : vector<16xf32>
          %mul3A_238 = arith.constant 128 : i32
          %mul3A_239 = arith.muli %scan3A_142, %mul3A_238 : i32
          %add3A_240 = arith.constant 96 : i32
          %add3A_241 = arith.addi %mul3A_239, %add3A_240 : i32
          %get3A_242 = arith.index_cast %scan3A_86 : i32 to index
          %get3A_243 = arith.index_cast %add3A_241 : i32 to index
          %get3A_244 = tpu.vector_load %arg6[%get3A_242, %get3A_243] {strides = array<i32>} : memref<16x1024xf32, #tpu.memory_space<vmem>>, vector<1x16xf32>,
          %get3A_245 = vector.shape_cast %get3A_244 : vector<1x16xf32> to vector<16xf32>
          %get3A_246 = arith.index_cast %scan3A_86 : i32 to index
          %get3A_247 = arith.index_cast %add3A_241 : i32 to index
          %get3A_248 = tpu.vector_load %arg5[%get3A_246, %get3A_247] {strides = array<i32>} : memref<16x1024xf32, #tpu.memory_space<vmem>>, vector<1x16xf32>,
          %get3A_249 = vector.shape_cast %get3A_248 : vector<1x16xf32> to vector<16xf32>
          %add3A_250 = arith.addf %add3A_234, %get3A_245 : vector<16xf32>
          %sub3A_251 = arith.subf %get3A_249, %get3A_245 : vector<16xf32>
          %abs3A_252 = math.absf %sub3A_251 : vector<16xf32>
          %add3A_253 = arith.addf %add3A_237, %abs3A_252 : vector<16xf32>
          %mul3A_254 = arith.constant 128 : i32
          %mul3A_255 = arith.muli %scan3A_142, %mul3A_254 : i32
          %add3A_256 = arith.constant 112 : i32
          %add3A_257 = arith.addi %mul3A_255, %add3A_256 : i32
          %get3A_258 = arith.index_cast %scan3A_86 : i32 to index
          %get3A_259 = arith.index_cast %add3A_257 : i32 to index
          %get3A_260 = tpu.vector_load %arg6[%get3A_258, %get3A_259] {strides = array<i32>} : memref<16x1024xf32, #tpu.memory_space<vmem>>, vector<1x16xf32>,
          %get3A_261 = vector.shape_cast %get3A_260 : vector<1x16xf32> to vector<16xf32>
          %get3A_262 = arith.index_cast %scan3A_86 : i32 to index
          %get3A_263 = arith.index_cast %add3A_257 : i32 to index
          %get3A_264 = tpu.vector_load %arg5[%get3A_262, %get3A_263] {strides = array<i32>} : memref<16x1024xf32, #tpu.memory_space<vmem>>, vector<1x16xf32>,
          %get3A_265 = vector.shape_cast %get3A_264 : vector<1x16xf32> to vector<16xf32>
          %add3A_266 = arith.addf %add3A_250, %get3A_261 : vector<16xf32>
          %sub3A_267 = arith.subf %get3A_265, %get3A_261 : vector<16xf32>
          %abs3A_268 = math.absf %sub3A_267 : vector<16xf32>
          %add3A_269 = arith.addf %add3A_253, %abs3A_268 : vector<16xf32>
          scf.yield %add3A_266, %add3A_269 : vector<16xf32>, vector<16xf32>
        }
        %scan3A_96 = arith.constant 8 : i32
        %iota3A = tpu.iota {dimensions = array<i32: 0>} : vector<16xi32>
        %xor3A = arith.constant 1 : i32
        %xor3A_97 = vector.broadcast %xor3A : i32 to vector<16xi32>
        %xor3A_98 = arith.xori %iota3A, %xor3A_97 : vector<16xi32>
        %broadcast_in_dim3A_99 = vector.shape_cast %xor3A_98 : vector<16xi32> to vector<16x1xi32>
        %gather3A = vector.shape_cast %broadcast_in_dim3A_99 : vector<16x1xi32> to vector<16xi32>
        %gather3A_100 = tpu.dynamic_gather %scan3A_95#0[%gather3A] in [0] : vector<16xf32>, vector<16xi32> -> vector<16xf32>
        %add3A_101 = arith.addf %scan3A_95#0, %gather3A_100 : vector<16xf32>
        %iota3A_102 = tpu.iota {dimensions = array<i32: 0>} : vector<16xi32>
        %xor3A_103 = arith.constant 2 : i32
        %xor3A_104 = vector.broadcast %xor3A_103 : i32 to vector<16xi32>
        %xor3A_105 = arith.xori %iota3A_102, %xor3A_104 : vector<16xi32>
        %broadcast_in_dim3A_106 = vector.shape_cast %xor3A_105 : vector<16xi32> to vector<16x1xi32>
        %gather3A_107 = vector.shape_cast %broadcast_in_dim3A_106 : vector<16x1xi32> to vector<16xi32>
        %gather3A_108 = tpu.dynamic_gather %add3A_101[%gather3A_107] in [0] : vector<16xf32>, vector<16xi32> -> vector<16xf32>
        %add3A_109 = arith.addf %add3A_101, %gather3A_108 : vector<16xf32>
        %iota3A_110 = tpu.iota {dimensions = array<i32: 0>} : vector<16xi32>
        %xor3A_111 = arith.constant 4 : i32
        %xor3A_112 = vector.broadcast %xor3A_111 : i32 to vector<16xi32>
        %xor3A_113 = arith.xori %iota3A_110, %xor3A_112 : vector<16xi32>
        %broadcast_in_dim3A_114 = vector.shape_cast %xor3A_113 : vector<16xi32> to vector<16x1xi32>
        %gather3A_115 = vector.shape_cast %broadcast_in_dim3A_114 : vector<16x1xi32> to vector<16xi32>
        %gather3A_116 = tpu.dynamic_gather %add3A_109[%gather3A_115] in [0] : vector<16xf32>, vector<16xi32> -> vector<16xf32>
        %add3A_117 = arith.addf %add3A_109, %gather3A_116 : vector<16xf32>
        %iota3A_118 = tpu.iota {dimensions = array<i32: 0>} : vector<16xi32>
        %xor3A_119 = arith.constant 8 : i32
        %xor3A_120 = vector.broadcast %xor3A_119 : i32 to vector<16xi32>
        %xor3A_121 = arith.xori %iota3A_118, %xor3A_120 : vector<16xi32>
        %broadcast_in_dim3A_122 = vector.shape_cast %xor3A_121 : vector<16xi32> to vector<16x1xi32>
        %gather3A_123 = vector.shape_cast %broadcast_in_dim3A_122 : vector<16x1xi32> to vector<16xi32>
        %gather3A_124 = tpu.dynamic_gather %add3A_117[%gather3A_123] in [0] : vector<16xf32>, vector<16xi32> -> vector<16xf32>
        %add3A_125 = arith.addf %add3A_117, %gather3A_124 : vector<16xf32>
        %sign3A = tpu.bitcast %add3A_125 : vector<16xf32> -> vector<16xi32>
        %sign3A_126 = arith.constant -2147483648 : i32
        %sign3A_127 = vector.broadcast %sign3A_126 : i32 to vector<16xi32>
        %sign3A_128 = arith.andi %sign3A, %sign3A_127 : vector<16xi32>
        %sign3A_129 = arith.constant 1065353216 : i32
        %sign3A_130 = vector.broadcast %sign3A_129 : i32 to vector<16xi32>
        %sign3A_131 = arith.ori %sign3A_130, %sign3A_128 : vector<16xi32>
        %sign3A_132 = tpu.bitcast %sign3A_131 : vector<16xi32> -> vector<16xf32>
        %sign3A_133 = math.absf %add3A_125 : vector<16xf32>
        %sign3A_134 = arith.constant 0.000000e+00 : f32
        %sign3A_135 = vector.broadcast %sign3A_134 : f32 to vector<16xf32>
        %sign3A_136 = arith.cmpf ogt, %sign3A_133, %sign3A_135 : vector<16xf32>
        %sign3A_137 = arith.select %sign3A_136, %sign3A_132, %add3A_125 : vector<16xi1>, vector<16xf32>
        %mul3A_138 = arith.mulf %sign3A_137, %sign3A_137 : vector<16xf32>
        %mul3A_139 = arith.mulf %scan3A_95#1, %mul3A_138 : vector<16xf32>
        %add3A_140 = arith.addf %scan3A_87, %mul3A_139 : vector<16xf32>
        %add3A_141 = arith.addf %scan3A_88, %mul3A_138 : vector<16xf32>
        scf.yield %add3A_140, %add3A_141 : vector<16xf32>, vector<16xf32>
      }
      %scan3A_65 = arith.constant 16 : i32
      %lt3A = arith.constant 7 : i32
      %lt3A_66 = arith.cmpi slt, %scan3A_31, %lt3A : i32
      %convert_element_type3A = arith.extui %lt3A_66 : i1 to i32
      %cond3A = arith.constant 0 : i32
      %cond3A_67 = arith.cmpi ne, %convert_element_type3A, %cond3A : i32
      scf.if %cond3A_67 {
        %mul3A_86 = arith.constant 2 : i32
        %mul3A_87 = arith.muli %mul3A_86, %scan3A_31 : i32
        %add3A_88 = arith.constant 2 : i32
        %add3A_89 = arith.addi %mul3A_87, %add3A_88 : i32
        %mul3A_90 = arith.constant 16 : i32
        %mul3A_91 = arith.muli %add3A_89, %mul3A_90 : i32
        %add3A_92 = arith.addi %add3A_4, %mul3A_91 : i32
        %dma_start3A_93 = arith.constant 0 : i32
        %dma_start3A_94 = tpu.memref_slice %arg2[%add3A_92, %dma_start3A_93] : memref<32768x1024xf32, #tpu.memory_space<hbm>> -> memref<16x1024xf32, #tpu.memory_space<hbm>>
        %dma_start3A_95 = arith.constant 0 : i32
        %dma_start3A_96 = tpu.memref_slice %arg2[%add3A_92, %dma_start3A_95] : memref<32768x1024xf32, #tpu.memory_space<hbm>> -> memref<16x1024xf32, #tpu.memory_space<hbm>>
        tpu.enqueue_dma source(%dma_start3A_96 : memref<16x1024xf32, #tpu.memory_space<hbm>>) target(%arg5 : memref<16x1024xf32, #tpu.memory_space<vmem>>) target_semaphore(%arg11 : memref<!tpu.dma_semaphore, #tpu.memory_space<semaphore_mem>>)
        %dma_start3A_97 = arith.constant 0 : i32
        %dma_start3A_98 = tpu.memref_slice %arg3[%add3A_92, %dma_start3A_97] : memref<32768x1024xf32, #tpu.memory_space<hbm>> -> memref<16x1024xf32, #tpu.memory_space<hbm>>
        %dma_start3A_99 = arith.constant 0 : i32
        %dma_start3A_100 = tpu.memref_slice %arg3[%add3A_92, %dma_start3A_99] : memref<32768x1024xf32, #tpu.memory_space<hbm>> -> memref<16x1024xf32, #tpu.memory_space<hbm>>
        tpu.enqueue_dma source(%dma_start3A_100 : memref<16x1024xf32, #tpu.memory_space<hbm>>) target(%arg6 : memref<16x1024xf32, #tpu.memory_space<vmem>>) target_semaphore(%arg12 : memref<!tpu.dma_semaphore, #tpu.memory_space<semaphore_mem>>)
      } else {
      }
      %dma_wait3A_68 = arith.constant 0 : i32
      %dma_wait3A_69 = arith.constant 0 : i32
      %dma_wait3A_70 = tpu.memref_slice %arg2[%dma_wait3A_68, %dma_wait3A_69] : memref<32768x1024xf32, #tpu.memory_space<hbm>> -> memref<16x1024xf32, #tpu.memory_space<hbm>>
      %dma_wait3A_71 = arith.constant 0 : i32
      %dma_wait3A_72 = arith.constant 0 : i32
      %dma_wait3A_73 = tpu.memref_slice %arg2[%dma_wait3A_71, %dma_wait3A_72] : memref<32768x1024xf32, #tpu.memory_space<hbm>> -> memref<16x1024xf32, #tpu.memory_space<hbm>>
      tpu.wait_dma2 semaphore(%arg13 : memref<!tpu.dma_semaphore, #tpu.memory_space<semaphore_mem>>) src(%dma_wait3A_73 : memref<16x1024xf32, #tpu.memory_space<hbm>>) dst(%arg7 : memref<16x1024xf32, #tpu.memory_space<vmem>>)
      %dma_wait3A_74 = arith.constant 0 : i32
      %dma_wait3A_75 = arith.constant 0 : i32
      %dma_wait3A_76 = tpu.memref_slice %arg3[%dma_wait3A_74, %dma_wait3A_75] : memref<32768x1024xf32, #tpu.memory_space<hbm>> -> memref<16x1024xf32, #tpu.memory_space<hbm>>
      %dma_wait3A_77 = arith.constant 0 : i32
      %dma_wait3A_78 = arith.constant 0 : i32
      %dma_wait3A_79 = tpu.memref_slice %arg3[%dma_wait3A_77, %dma_wait3A_78] : memref<32768x1024xf32, #tpu.memory_space<hbm>> -> memref<16x1024xf32, #tpu.memory_space<hbm>>
      tpu.wait_dma2 semaphore(%arg14 : memref<!tpu.dma_semaphore, #tpu.memory_space<semaphore_mem>>) src(%dma_wait3A_79 : memref<16x1024xf32, #tpu.memory_space<hbm>>) dst(%arg8 : memref<16x1024xf32, #tpu.memory_space<vmem>>)
      %scan3A_80 = arith.constant 0 : i32
      %scan3A_81 = arith.constant 16 : i32
      %scan3A_82 = arith.addi %scan3A_80, %scan3A_81 : i32
      %scan3A_83 = arith.constant 1 : i32
      %scan3A_84:2 = scf.for %scan3A_86 = %scan3A_80 to %scan3A_82 step %scan3A_83 iter_args(%scan3A_87 = %scan3A_64#0, %scan3A_88 = %scan3A_64#1) -> (vector<16xf32>, vector<16xf32>)  : i32 {
        %broadcast_in_dim3A_89 = arith.constant 0.000000e+00 : f32
        %broadcast_in_dim3A_90 = vector.broadcast %broadcast_in_dim3A_89 : f32 to vector<16xf32>
        %scan3A_91 = arith.constant 0 : i32
        %scan3A_92 = arith.constant 8 : i32
        %scan3A_93 = arith.addi %scan3A_91, %scan3A_92 : i32
        %scan3A_94 = arith.constant 1 : i32
        %scan3A_95:2 = scf.for %scan3A_142 = %scan3A_91 to %scan3A_93 step %scan3A_94 iter_args(%scan3A_143 = %broadcast_in_dim3A_90, %scan3A_144 = %broadcast_in_dim3A_90) -> (vector<16xf32>, vector<16xf32>)  : i32 {
          %mul3A_145 = arith.constant 128 : i32
          %mul3A_146 = arith.muli %scan3A_142, %mul3A_145 : i32
          %add3A_147 = arith.constant 0 : i32
          %add3A_148 = arith.addi %mul3A_146, %add3A_147 : i32
          %get3A = arith.index_cast %scan3A_86 : i32 to index
          %get3A_149 = arith.index_cast %add3A_148 : i32 to index
          %get3A_150 = tpu.vector_load %arg8[%get3A, %get3A_149] {strides = array<i32>} : memref<16x1024xf32, #tpu.memory_space<vmem>>, vector<1x16xf32>,
          %get3A_151 = vector.shape_cast %get3A_150 : vector<1x16xf32> to vector<16xf32>
          %get3A_152 = arith.index_cast %scan3A_86 : i32 to index
          %get3A_153 = arith.index_cast %add3A_148 : i32 to index
          %get3A_154 = tpu.vector_load %arg7[%get3A_152, %get3A_153] {strides = array<i32>} : memref<16x1024xf32, #tpu.memory_space<vmem>>, vector<1x16xf32>,
          %get3A_155 = vector.shape_cast %get3A_154 : vector<1x16xf32> to vector<16xf32>
          %add3A_156 = arith.addf %scan3A_143, %get3A_151 : vector<16xf32>
          %sub3A = arith.subf %get3A_155, %get3A_151 : vector<16xf32>
          %abs3A = math.absf %sub3A : vector<16xf32>
          %add3A_157 = arith.addf %scan3A_144, %abs3A : vector<16xf32>
          %mul3A_158 = arith.constant 128 : i32
          %mul3A_159 = arith.muli %scan3A_142, %mul3A_158 : i32
          %add3A_160 = arith.constant 16 : i32
          %add3A_161 = arith.addi %mul3A_159, %add3A_160 : i32
          %get3A_162 = arith.index_cast %scan3A_86 : i32 to index
          %get3A_163 = arith.index_cast %add3A_161 : i32 to index
          %get3A_164 = tpu.vector_load %arg8[%get3A_162, %get3A_163] {strides = array<i32>} : memref<16x1024xf32, #tpu.memory_space<vmem>>, vector<1x16xf32>,
          %get3A_165 = vector.shape_cast %get3A_164 : vector<1x16xf32> to vector<16xf32>
          %get3A_166 = arith.index_cast %scan3A_86 : i32 to index
          %get3A_167 = arith.index_cast %add3A_161 : i32 to index
          %get3A_168 = tpu.vector_load %arg7[%get3A_166, %get3A_167] {strides = array<i32>} : memref<16x1024xf32, #tpu.memory_space<vmem>>, vector<1x16xf32>,
          %get3A_169 = vector.shape_cast %get3A_168 : vector<1x16xf32> to vector<16xf32>
          %add3A_170 = arith.addf %add3A_156, %get3A_165 : vector<16xf32>
          %sub3A_171 = arith.subf %get3A_169, %get3A_165 : vector<16xf32>
          %abs3A_172 = math.absf %sub3A_171 : vector<16xf32>
          %add3A_173 = arith.addf %add3A_157, %abs3A_172 : vector<16xf32>
          %mul3A_174 = arith.constant 128 : i32
          %mul3A_175 = arith.muli %scan3A_142, %mul3A_174 : i32
          %add3A_176 = arith.constant 32 : i32
          %add3A_177 = arith.addi %mul3A_175, %add3A_176 : i32
          %get3A_178 = arith.index_cast %scan3A_86 : i32 to index
          %get3A_179 = arith.index_cast %add3A_177 : i32 to index
          %get3A_180 = tpu.vector_load %arg8[%get3A_178, %get3A_179] {strides = array<i32>} : memref<16x1024xf32, #tpu.memory_space<vmem>>, vector<1x16xf32>,
          %get3A_181 = vector.shape_cast %get3A_180 : vector<1x16xf32> to vector<16xf32>
          %get3A_182 = arith.index_cast %scan3A_86 : i32 to index
          %get3A_183 = arith.index_cast %add3A_177 : i32 to index
          %get3A_184 = tpu.vector_load %arg7[%get3A_182, %get3A_183] {strides = array<i32>} : memref<16x1024xf32, #tpu.memory_space<vmem>>, vector<1x16xf32>,
          %get3A_185 = vector.shape_cast %get3A_184 : vector<1x16xf32> to vector<16xf32>
          %add3A_186 = arith.addf %add3A_170, %get3A_181 : vector<16xf32>
          %sub3A_187 = arith.subf %get3A_185, %get3A_181 : vector<16xf32>
          %abs3A_188 = math.absf %sub3A_187 : vector<16xf32>
          %add3A_189 = arith.addf %add3A_173, %abs3A_188 : vector<16xf32>
          %mul3A_190 = arith.constant 128 : i32
          %mul3A_191 = arith.muli %scan3A_142, %mul3A_190 : i32
          %add3A_192 = arith.constant 48 : i32
          %add3A_193 = arith.addi %mul3A_191, %add3A_192 : i32
          %get3A_194 = arith.index_cast %scan3A_86 : i32 to index
          %get3A_195 = arith.index_cast %add3A_193 : i32 to index
          %get3A_196 = tpu.vector_load %arg8[%get3A_194, %get3A_195] {strides = array<i32>} : memref<16x1024xf32, #tpu.memory_space<vmem>>, vector<1x16xf32>,
          %get3A_197 = vector.shape_cast %get3A_196 : vector<1x16xf32> to vector<16xf32>
          %get3A_198 = arith.index_cast %scan3A_86 : i32 to index
          %get3A_199 = arith.index_cast %add3A_193 : i32 to index
          %get3A_200 = tpu.vector_load %arg7[%get3A_198, %get3A_199] {strides = array<i32>} : memref<16x1024xf32, #tpu.memory_space<vmem>>, vector<1x16xf32>,
          %get3A_201 = vector.shape_cast %get3A_200 : vector<1x16xf32> to vector<16xf32>
          %add3A_202 = arith.addf %add3A_186, %get3A_197 : vector<16xf32>
          %sub3A_203 = arith.subf %get3A_201, %get3A_197 : vector<16xf32>
          %abs3A_204 = math.absf %sub3A_203 : vector<16xf32>
          %add3A_205 = arith.addf %add3A_189, %abs3A_204 : vector<16xf32>
          %mul3A_206 = arith.constant 128 : i32
          %mul3A_207 = arith.muli %scan3A_142, %mul3A_206 : i32
          %add3A_208 = arith.constant 64 : i32
          %add3A_209 = arith.addi %mul3A_207, %add3A_208 : i32
          %get3A_210 = arith.index_cast %scan3A_86 : i32 to index
          %get3A_211 = arith.index_cast %add3A_209 : i32 to index
          %get3A_212 = tpu.vector_load %arg8[%get3A_210, %get3A_211] {strides = array<i32>} : memref<16x1024xf32, #tpu.memory_space<vmem>>, vector<1x16xf32>,
          %get3A_213 = vector.shape_cast %get3A_212 : vector<1x16xf32> to vector<16xf32>
          %get3A_214 = arith.index_cast %scan3A_86 : i32 to index
          %get3A_215 = arith.index_cast %add3A_209 : i32 to index
          %get3A_216 = tpu.vector_load %arg7[%get3A_214, %get3A_215] {strides = array<i32>} : memref<16x1024xf32, #tpu.memory_space<vmem>>, vector<1x16xf32>,
          %get3A_217 = vector.shape_cast %get3A_216 : vector<1x16xf32> to vector<16xf32>
          %add3A_218 = arith.addf %add3A_202, %get3A_213 : vector<16xf32>
          %sub3A_219 = arith.subf %get3A_217, %get3A_213 : vector<16xf32>
          %abs3A_220 = math.absf %sub3A_219 : vector<16xf32>
          %add3A_221 = arith.addf %add3A_205, %abs3A_220 : vector<16xf32>
          %mul3A_222 = arith.constant 128 : i32
          %mul3A_223 = arith.muli %scan3A_142, %mul3A_222 : i32
          %add3A_224 = arith.constant 80 : i32
          %add3A_225 = arith.addi %mul3A_223, %add3A_224 : i32
          %get3A_226 = arith.index_cast %scan3A_86 : i32 to index
          %get3A_227 = arith.index_cast %add3A_225 : i32 to index
          %get3A_228 = tpu.vector_load %arg8[%get3A_226, %get3A_227] {strides = array<i32>} : memref<16x1024xf32, #tpu.memory_space<vmem>>, vector<1x16xf32>,
          %get3A_229 = vector.shape_cast %get3A_228 : vector<1x16xf32> to vector<16xf32>
          %get3A_230 = arith.index_cast %scan3A_86 : i32 to index
          %get3A_231 = arith.index_cast %add3A_225 : i32 to index
          %get3A_232 = tpu.vector_load %arg7[%get3A_230, %get3A_231] {strides = array<i32>} : memref<16x1024xf32, #tpu.memory_space<vmem>>, vector<1x16xf32>,
          %get3A_233 = vector.shape_cast %get3A_232 : vector<1x16xf32> to vector<16xf32>
          %add3A_234 = arith.addf %add3A_218, %get3A_229 : vector<16xf32>
          %sub3A_235 = arith.subf %get3A_233, %get3A_229 : vector<16xf32>
          %abs3A_236 = math.absf %sub3A_235 : vector<16xf32>
          %add3A_237 = arith.addf %add3A_221, %abs3A_236 : vector<16xf32>
          %mul3A_238 = arith.constant 128 : i32
          %mul3A_239 = arith.muli %scan3A_142, %mul3A_238 : i32
          %add3A_240 = arith.constant 96 : i32
          %add3A_241 = arith.addi %mul3A_239, %add3A_240 : i32
          %get3A_242 = arith.index_cast %scan3A_86 : i32 to index
          %get3A_243 = arith.index_cast %add3A_241 : i32 to index
          %get3A_244 = tpu.vector_load %arg8[%get3A_242, %get3A_243] {strides = array<i32>} : memref<16x1024xf32, #tpu.memory_space<vmem>>, vector<1x16xf32>,
          %get3A_245 = vector.shape_cast %get3A_244 : vector<1x16xf32> to vector<16xf32>
          %get3A_246 = arith.index_cast %scan3A_86 : i32 to index
          %get3A_247 = arith.index_cast %add3A_241 : i32 to index
          %get3A_248 = tpu.vector_load %arg7[%get3A_246, %get3A_247] {strides = array<i32>} : memref<16x1024xf32, #tpu.memory_space<vmem>>, vector<1x16xf32>,
          %get3A_249 = vector.shape_cast %get3A_248 : vector<1x16xf32> to vector<16xf32>
          %add3A_250 = arith.addf %add3A_234, %get3A_245 : vector<16xf32>
          %sub3A_251 = arith.subf %get3A_249, %get3A_245 : vector<16xf32>
          %abs3A_252 = math.absf %sub3A_251 : vector<16xf32>
          %add3A_253 = arith.addf %add3A_237, %abs3A_252 : vector<16xf32>
          %mul3A_254 = arith.constant 128 : i32
          %mul3A_255 = arith.muli %scan3A_142, %mul3A_254 : i32
          %add3A_256 = arith.constant 112 : i32
          %add3A_257 = arith.addi %mul3A_255, %add3A_256 : i32
          %get3A_258 = arith.index_cast %scan3A_86 : i32 to index
          %get3A_259 = arith.index_cast %add3A_257 : i32 to index
          %get3A_260 = tpu.vector_load %arg8[%get3A_258, %get3A_259] {strides = array<i32>} : memref<16x1024xf32, #tpu.memory_space<vmem>>, vector<1x16xf32>,
          %get3A_261 = vector.shape_cast %get3A_260 : vector<1x16xf32> to vector<16xf32>
          %get3A_262 = arith.index_cast %scan3A_86 : i32 to index
          %get3A_263 = arith.index_cast %add3A_257 : i32 to index
          %get3A_264 = tpu.vector_load %arg7[%get3A_262, %get3A_263] {strides = array<i32>} : memref<16x1024xf32, #tpu.memory_space<vmem>>, vector<1x16xf32>,
          %get3A_265 = vector.shape_cast %get3A_264 : vector<1x16xf32> to vector<16xf32>
          %add3A_266 = arith.addf %add3A_250, %get3A_261 : vector<16xf32>
          %sub3A_267 = arith.subf %get3A_265, %get3A_261 : vector<16xf32>
          %abs3A_268 = math.absf %sub3A_267 : vector<16xf32>
          %add3A_269 = arith.addf %add3A_253, %abs3A_268 : vector<16xf32>
          scf.yield %add3A_266, %add3A_269 : vector<16xf32>, vector<16xf32>
        }
        %scan3A_96 = arith.constant 8 : i32
        %iota3A = tpu.iota {dimensions = array<i32: 0>} : vector<16xi32>
        %xor3A = arith.constant 1 : i32
        %xor3A_97 = vector.broadcast %xor3A : i32 to vector<16xi32>
        %xor3A_98 = arith.xori %iota3A, %xor3A_97 : vector<16xi32>
        %broadcast_in_dim3A_99 = vector.shape_cast %xor3A_98 : vector<16xi32> to vector<16x1xi32>
        %gather3A = vector.shape_cast %broadcast_in_dim3A_99 : vector<16x1xi32> to vector<16xi32>
        %gather3A_100 = tpu.dynamic_gather %scan3A_95#0[%gather3A] in [0] : vector<16xf32>, vector<16xi32> -> vector<16xf32>
        %add3A_101 = arith.addf %scan3A_95#0, %gather3A_100 : vector<16xf32>
        %iota3A_102 = tpu.iota {dimensions = array<i32: 0>} : vector<16xi32>
        %xor3A_103 = arith.constant 2 : i32
        %xor3A_104 = vector.broadcast %xor3A_103 : i32 to vector<16xi32>
        %xor3A_105 = arith.xori %iota3A_102, %xor3A_104 : vector<16xi32>
        %broadcast_in_dim3A_106 = vector.shape_cast %xor3A_105 : vector<16xi32> to vector<16x1xi32>
        %gather3A_107 = vector.shape_cast %broadcast_in_dim3A_106 : vector<16x1xi32> to vector<16xi32>
        %gather3A_108 = tpu.dynamic_gather %add3A_101[%gather3A_107] in [0] : vector<16xf32>, vector<16xi32> -> vector<16xf32>
        %add3A_109 = arith.addf %add3A_101, %gather3A_108 : vector<16xf32>
        %iota3A_110 = tpu.iota {dimensions = array<i32: 0>} : vector<16xi32>
        %xor3A_111 = arith.constant 4 : i32
        %xor3A_112 = vector.broadcast %xor3A_111 : i32 to vector<16xi32>
        %xor3A_113 = arith.xori %iota3A_110, %xor3A_112 : vector<16xi32>
        %broadcast_in_dim3A_114 = vector.shape_cast %xor3A_113 : vector<16xi32> to vector<16x1xi32>
        %gather3A_115 = vector.shape_cast %broadcast_in_dim3A_114 : vector<16x1xi32> to vector<16xi32>
        %gather3A_116 = tpu.dynamic_gather %add3A_109[%gather3A_115] in [0] : vector<16xf32>, vector<16xi32> -> vector<16xf32>
        %add3A_117 = arith.addf %add3A_109, %gather3A_116 : vector<16xf32>
        %iota3A_118 = tpu.iota {dimensions = array<i32: 0>} : vector<16xi32>
        %xor3A_119 = arith.constant 8 : i32
        %xor3A_120 = vector.broadcast %xor3A_119 : i32 to vector<16xi32>
        %xor3A_121 = arith.xori %iota3A_118, %xor3A_120 : vector<16xi32>
        %broadcast_in_dim3A_122 = vector.shape_cast %xor3A_121 : vector<16xi32> to vector<16x1xi32>
        %gather3A_123 = vector.shape_cast %broadcast_in_dim3A_122 : vector<16x1xi32> to vector<16xi32>
        %gather3A_124 = tpu.dynamic_gather %add3A_117[%gather3A_123] in [0] : vector<16xf32>, vector<16xi32> -> vector<16xf32>
        %add3A_125 = arith.addf %add3A_117, %gather3A_124 : vector<16xf32>
        %sign3A = tpu.bitcast %add3A_125 : vector<16xf32> -> vector<16xi32>
        %sign3A_126 = arith.constant -2147483648 : i32
        %sign3A_127 = vector.broadcast %sign3A_126 : i32 to vector<16xi32>
        %sign3A_128 = arith.andi %sign3A, %sign3A_127 : vector<16xi32>
        %sign3A_129 = arith.constant 1065353216 : i32
        %sign3A_130 = vector.broadcast %sign3A_129 : i32 to vector<16xi32>
        %sign3A_131 = arith.ori %sign3A_130, %sign3A_128 : vector<16xi32>
        %sign3A_132 = tpu.bitcast %sign3A_131 : vector<16xi32> -> vector<16xf32>
        %sign3A_133 = math.absf %add3A_125 : vector<16xf32>
        %sign3A_134 = arith.constant 0.000000e+00 : f32
        %sign3A_135 = vector.broadcast %sign3A_134 : f32 to vector<16xf32>
        %sign3A_136 = arith.cmpf ogt, %sign3A_133, %sign3A_135 : vector<16xf32>
        %sign3A_137 = arith.select %sign3A_136, %sign3A_132, %add3A_125 : vector<16xi1>, vector<16xf32>
        %mul3A_138 = arith.mulf %sign3A_137, %sign3A_137 : vector<16xf32>
        %mul3A_139 = arith.mulf %scan3A_95#1, %mul3A_138 : vector<16xf32>
        %add3A_140 = arith.addf %scan3A_87, %mul3A_139 : vector<16xf32>
        %add3A_141 = arith.addf %scan3A_88, %mul3A_138 : vector<16xf32>
        scf.yield %add3A_140, %add3A_141 : vector<16xf32>, vector<16xf32>
      }
      %scan3A_85 = arith.constant 16 : i32
      scf.yield %scan3A_84#0, %scan3A_84#1 : vector<16xf32>, vector<16xf32>
    }
    %scan3A_21 = arith.constant 8 : i32
    %swap3A = arith.constant 0 : index
    %swap3A_22 = tpu.vector_load %arg9[%swap3A] {strides = array<i32>} : memref<16xf32, #tpu.memory_space<vmem>>, vector<16xf32>,
    %swap3A_23 = vector.shape_cast %swap3A_22 : vector<16xf32> to vector<16xf32>
    %swap3A_24 = vector.shape_cast %scan3A_20#0 : vector<16xf32> to vector<16xf32>
    tpu.vector_store %arg9[%swap3A], %swap3A_24 {strides = array<i32>} : memref<16xf32, #tpu.memory_space<vmem>>, vector<16xf32>,
    %swap3A_25 = arith.constant 0 : index
    %swap3A_26 = tpu.vector_load %arg10[%swap3A_25] {strides = array<i32>} : memref<16xf32, #tpu.memory_space<vmem>>, vector<16xf32>,
    %swap3A_27 = vector.shape_cast %swap3A_26 : vector<16xf32> to vector<16xf32>
    %swap3A_28 = vector.shape_cast %scan3A_20#1 : vector<16xf32> to vector<16xf32>
    tpu.vector_store %arg10[%swap3A_25], %swap3A_28 {strides = array<i32>} : memref<16xf32, #tpu.memory_space<vmem>>, vector<16xf32>,
    "tpu.region"() ({
      %run_scoped3A = tpu.sem_alloc : memref<!tpu.dma_semaphore, #tpu.memory_space<semaphore_mem>>
      %dma_start3A_31 = arith.constant 0 : i32
      %dma_start3A_32 = tpu.memref_slice %arg4[%add3A, %dma_start3A_31] : memref<64x16xf32, #tpu.memory_space<hbm>> -> memref<1x16xf32, #tpu.memory_space<hbm>>
      %dma_start3A_33 = tpu.memref_squeeze %dma_start3A_32 : memref<1x16xf32, #tpu.memory_space<hbm>> -> memref<16xf32, #tpu.memory_space<hbm>>
      %dma_start3A_34 = arith.constant 0 : i32
      %dma_start3A_35 = tpu.memref_slice %arg4[%add3A, %dma_start3A_34] : memref<64x16xf32, #tpu.memory_space<hbm>> -> memref<1x16xf32, #tpu.memory_space<hbm>>
      %dma_start3A_36 = tpu.memref_squeeze %dma_start3A_35 : memref<1x16xf32, #tpu.memory_space<hbm>> -> memref<16xf32, #tpu.memory_space<hbm>>
      tpu.enqueue_dma source(%arg9 : memref<16xf32, #tpu.memory_space<vmem>>) target(%dma_start3A_36 : memref<16xf32, #tpu.memory_space<hbm>>) target_semaphore(%run_scoped3A : memref<!tpu.dma_semaphore, #tpu.memory_space<semaphore_mem>>)
      %dma_wait3A = arith.constant 0 : i32
      %dma_wait3A_37 = tpu.memref_slice %arg4[%add3A, %dma_wait3A] : memref<64x16xf32, #tpu.memory_space<hbm>> -> memref<1x16xf32, #tpu.memory_space<hbm>>
      %dma_wait3A_38 = tpu.memref_squeeze %dma_wait3A_37 : memref<1x16xf32, #tpu.memory_space<hbm>> -> memref<16xf32, #tpu.memory_space<hbm>>
      %dma_wait3A_39 = arith.constant 0 : i32
      %dma_wait3A_40 = tpu.memref_slice %arg4[%add3A, %dma_wait3A_39] : memref<64x16xf32, #tpu.memory_space<hbm>> -> memref<1x16xf32, #tpu.memory_space<hbm>>
      %dma_wait3A_41 = tpu.memref_squeeze %dma_wait3A_40 : memref<1x16xf32, #tpu.memory_space<hbm>> -> memref<16xf32, #tpu.memory_space<hbm>>
      tpu.wait_dma2 semaphore(%run_scoped3A : memref<!tpu.dma_semaphore, #tpu.memory_space<semaphore_mem>>) src(%arg9 : memref<16xf32, #tpu.memory_space<vmem>>) dst(%dma_wait3A_41 : memref<16xf32, #tpu.memory_space<hbm>>)
      tpu.yield
    }) : () -> ()
    %add3A_29 = arith.constant 32 : i32
    %add3A_30 = arith.addi %add3A_29, %add3A : i32
    "tpu.region"() ({
      %run_scoped3A = tpu.sem_alloc : memref<!tpu.dma_semaphore, #tpu.memory_space<semaphore_mem>>
      %dma_start3A_31 = arith.constant 0 : i32
      %dma_start3A_32 = tpu.memref_slice %arg4[%add3A_30, %dma_start3A_31] : memref<64x16xf32, #tpu.memory_space<hbm>> -> memref<1x16xf32, #tpu.memory_space<hbm>>
      %dma_start3A_33 = tpu.memref_squeeze %dma_start3A_32 : memref<1x16xf32, #tpu.memory_space<hbm>> -> memref<16xf32, #tpu.memory_space<hbm>>
      %dma_start3A_34 = arith.constant 0 : i32
      %dma_start3A_35 = tpu.memref_slice %arg4[%add3A_30, %dma_start3A_34] : memref<64x16xf32, #tpu.memory_space<hbm>> -> memref<1x16xf32, #tpu.memory_space<hbm>>
      %dma_start3A_36 = tpu.memref_squeeze %dma_start3A_35 : memref<1x16xf32, #tpu.memory_space<hbm>> -> memref<16xf32, #tpu.memory_space<hbm>>
      tpu.enqueue_dma source(%arg10 : memref<16xf32, #tpu.memory_space<vmem>>) target(%dma_start3A_36 : memref<16xf32, #tpu.memory_space<hbm>>) target_semaphore(%run_scoped3A : memref<!tpu.dma_semaphore, #tpu.memory_space<semaphore_mem>>)
      %dma_wait3A = arith.constant 0 : i32
      %dma_wait3A_37 = tpu.memref_slice %arg4[%add3A_30, %dma_wait3A] : memref<64x16xf32, #tpu.memory_space<hbm>> -> memref<1x16xf32, #tpu.memory_space<hbm>>
      %dma_wait3A_38 = tpu.memref_squeeze %dma_wait3A_37 : memref<1x16xf32, #tpu.memory_space<hbm>> -> memref<16xf32, #tpu.memory_space<hbm>>
      %dma_wait3A_39 = arith.constant 0 : i32
      %dma_wait3A_40 = tpu.memref_slice %arg4[%add3A_30, %dma_wait3A_39] : memref<64x16xf32, #tpu.memory_space<hbm>> -> memref<1x16xf32, #tpu.memory_space<hbm>>
      %dma_wait3A_41 = tpu.memref_squeeze %dma_wait3A_40 : memref<1x16xf32, #tpu.memory_space<hbm>> -> memref<16xf32, #tpu.memory_space<hbm>>
      tpu.wait_dma2 semaphore(%run_scoped3A : memref<!tpu.dma_semaphore, #tpu.memory_space<semaphore_mem>>) src(%arg10 : memref<16xf32, #tpu.memory_space<vmem>>) dst(%dma_wait3A_41 : memref<16xf32, #tpu.memory_space<hbm>>)
      tpu.yield
    }) : () -> ()
    return
  }
}

module attributes {stable_mosaic.version = 14 : i64} {
  func.func @_tc_loss_kernel(%arg0: i32, %arg1: memref<1024x1024xf32, #tpu.memory_space<vmem>>, %arg2: memref<1024x1024xf32, #tpu.memory_space<vmem>>, %arg3: memref<1x1xf32, #tpu.memory_space<smem>>, %arg4: memref<1x1xf32, #tpu.memory_space<smem>>) attributes {dimension_semantics = [#tpu.dimension_semantics<arbitrary>], iteration_bounds = array<i64: 24>, scalar_prefetch = 0 : i64, scratch_operands = 0 : i64, tpu.core_type = #tpu.core_type<tc>, window_params = [{transform_indices = @transform_0, window_bounds = array<i64: 1024, 1024>}, {transform_indices = @transform_1, window_bounds = array<i64: 1024, 1024>}, {transform_indices = @transform_2, window_bounds = array<i64: 1, 1>}, {transform_indices = @transform_3, window_bounds = array<i64: 1, 1>}]} {
    %eq3A = arith.constant 0 : i32
    %eq3A_0 = arith.cmpi eq, %arg0, %eq3A : i32
    %convert_element_type3A = arith.extui %eq3A_0 : i1 to i32
    %cond3A = arith.constant 0 : i32
    %cond3A_1 = arith.cmpi ne, %convert_element_type3A, %cond3A : i32
    scf.if %cond3A_1 {
      %swap3A_36 = arith.constant 0.000000e+00 : f32
      %swap3A_37 = arith.constant 0 : index
      %swap3A_38 = arith.constant 0 : index
      %swap3A_39 = memref.load %arg3[%swap3A_37, %swap3A_38] : memref<1x1xf32, #tpu.memory_space<smem>>
      memref.store %swap3A_36, %arg3[%swap3A_37, %swap3A_38] : memref<1x1xf32, #tpu.memory_space<smem>>
      %swap3A_40 = arith.constant 0.000000e+00 : f32
      %swap3A_41 = arith.constant 0 : index
      %swap3A_42 = arith.constant 0 : index
      %swap3A_43 = memref.load %arg4[%swap3A_41, %swap3A_42] : memref<1x1xf32, #tpu.memory_space<smem>>
      memref.store %swap3A_40, %arg4[%swap3A_41, %swap3A_42] : memref<1x1xf32, #tpu.memory_space<smem>>
    } else {
    }
    %get3A = arith.constant 0 : index
    %get3A_2 = arith.constant 0 : index
    %get3A_3 = vector.load %arg2[%get3A, %get3A_2] : memref<1024x1024xf32, #tpu.memory_space<vmem>>, vector<1024x1024xf32>
    %get3A_4 = arith.constant 0 : index
    %get3A_5 = arith.constant 0 : index
    %get3A_6 = vector.load %arg1[%get3A_4, %get3A_5] : memref<1024x1024xf32, #tpu.memory_space<vmem>>, vector<1024x1024xf32>
    %reduce_sum3A = arith.constant dense<0.000000e+00> : vector<1024xf32>
    %reduce_sum3A_7 = vector.multi_reduction <add>, %get3A_3, %reduce_sum3A [1] : vector<1024x1024xf32> to vector<1024xf32>
    %ne3A = arith.constant 0.000000e+00 : f32
    %ne3A_8 = vector.broadcast %ne3A : f32 to vector<1024xf32>
    %ne3A_9 = arith.cmpf one, %reduce_sum3A_7, %ne3A_8 : vector<1024xf32>
    %convert_element_type3A_10 = arith.extui %ne3A_9 : vector<1024xi1> to vector<1024xi32>
    %convert_element_type3A_11 = arith.sitofp %convert_element_type3A_10 : vector<1024xi32> to vector<1024xf32>
    %sub3A = arith.subf %get3A_6, %get3A_3 : vector<1024x1024xf32>
    %abs3A = math.absf %sub3A : vector<1024x1024xf32>
    %reduce_sum3A_12 = arith.constant dense<0.000000e+00> : vector<1024xf32>
    %reduce_sum3A_13 = vector.multi_reduction <add>, %abs3A, %reduce_sum3A_12 [1] : vector<1024x1024xf32> to vector<1024xf32>
    %get3A_14 = arith.constant 0 : index
    %get3A_15 = arith.constant 0 : index
    %get3A_16 = memref.load %arg3[%get3A_14, %get3A_15] : memref<1x1xf32, #tpu.memory_space<smem>>
    %mul3A = arith.mulf %reduce_sum3A_13, %convert_element_type3A_11 : vector<1024xf32>
    %reduce_sum3A_17 = vector.shape_cast %mul3A : vector<1024xf32> to vector<1x1024xf32>
    %reduce_sum3A_18 = arith.constant dense<0.000000e+00> : vector<1xf32>
    %reduce_sum3A_19 = vector.multi_reduction <add>, %reduce_sum3A_17, %reduce_sum3A_18 [1] : vector<1x1024xf32> to vector<1xf32>
    %reduce_sum3A_20 = vector.shape_cast %reduce_sum3A_19 : vector<1xf32> to vector<1x1xf32>
    %reduce_sum3A_21 = vector.extract %reduce_sum3A_20[0, 0] : f32 from vector<1x1xf32>
    %add3A = arith.addf %get3A_16, %reduce_sum3A_21 : f32
    %swap3A = arith.constant 0 : index
    %swap3A_22 = arith.constant 0 : index
    %swap3A_23 = memref.load %arg3[%swap3A, %swap3A_22] : memref<1x1xf32, #tpu.memory_space<smem>>
    memref.store %add3A, %arg3[%swap3A, %swap3A_22] : memref<1x1xf32, #tpu.memory_space<smem>>
    %get3A_24 = arith.constant 0 : index
    %get3A_25 = arith.constant 0 : index
    %get3A_26 = memref.load %arg4[%get3A_24, %get3A_25] : memref<1x1xf32, #tpu.memory_space<smem>>
    %reduce_sum3A_27 = vector.shape_cast %convert_element_type3A_11 : vector<1024xf32> to vector<1x1024xf32>
    %reduce_sum3A_28 = arith.constant dense<0.000000e+00> : vector<1xf32>
    %reduce_sum3A_29 = vector.multi_reduction <add>, %reduce_sum3A_27, %reduce_sum3A_28 [1] : vector<1x1024xf32> to vector<1xf32>
    %reduce_sum3A_30 = vector.shape_cast %reduce_sum3A_29 : vector<1xf32> to vector<1x1xf32>
    %reduce_sum3A_31 = vector.extract %reduce_sum3A_30[0, 0] : f32 from vector<1x1xf32>
    %add3A_32 = arith.addf %get3A_26, %reduce_sum3A_31 : f32
    %swap3A_33 = arith.constant 0 : index
    %swap3A_34 = arith.constant 0 : index
    %swap3A_35 = memref.load %arg4[%swap3A_33, %swap3A_34] : memref<1x1xf32, #tpu.memory_space<smem>>
    memref.store %add3A_32, %arg4[%swap3A_33, %swap3A_34] : memref<1x1xf32, #tpu.memory_space<smem>>
    return
  }
  func.func @transform_0(%arg0: i32) -> (i32, i32) {
    %c0_i32 = arith.constant 0 : i32
    %c0_i32_0 = arith.constant 0 : i32
    return %arg0, %c0_i32 : i32, i32
  }
  func.func @transform_1(%arg0: i32) -> (i32, i32) {
    %c0_i32 = arith.constant 0 : i32
    %c0_i32_0 = arith.constant 0 : i32
    return %arg0, %c0_i32 : i32, i32
  }
  func.func @transform_2(%arg0: i32) -> (i32, i32) {
    %c0_i32 = arith.constant 0 : i32
    %c0_i32_0 = arith.constant 0 : i32
    %c0_i32_1 = arith.constant 0 : i32
    return %c0_i32, %c0_i32_0 : i32, i32
  }
  func.func @transform_3(%arg0: i32) -> (i32, i32) {
    %c0_i32 = arith.constant 0 : i32
    %c0_i32_0 = arith.constant 0 : i32
    %c0_i32_1 = arith.constant 0 : i32
    return %c0_i32, %c0_i32_0 : i32, i32
  }
}

</mosaic_0001>

<sc_bundles>
// kernel: kernel.4.cloned.1.call-start
scs
__scs_entry_jumppad:
0x0: {  	(pc) =	sbr.rel $0x88, $3  }
0x1: {  	(tag) =	ssettag $0x0;
	lr =	simm.s32 $0x1  }
0x2: {  	[smem:$0x3F9F] =	sst lr;
	_ =	strace $0xD0000000  }
0x3: {  	_ = 	snop  }
0x4: {  	_ = 	snop  }
0x5: {  	_ = 	snop  }
0x6: {  	_ = 	snop  }
0x7: {  	_ = 	snop  }
__scs_overlays_trampoline_lowered:
0x8: {  	[smem:$0x3FAE] =	sst s0  }
0x9: {  	[smem:$0x3FAF] =	sst s1  }
0xa: {  	[smem:$0x3FB0] =	sst s2  }
0xb: {  	[smem:$0x3FB1] =	sst s3  }
0xc: {  	[smem:$0x3FB2] =	sst s4  }
0xd: {  	[smem:$0x3FB3] =	sst s5  }
0xe: {  	[smem:$0x3FB4] =	sst s6  }
0xf: {  	[smem:$0x3FB5] =	sst s7  }
0x10: {  	[smem:$0x3FB6] =	sst s8  }
0x11: {  	[smem:$0x3FB7] =	sst s9;
	s0 =	simm.s32 @!p0 $0x0  }
0x12: {  	s1 =	sld [smem:$0x3F9D];
	s0 =	simm.s32 @p0 $0x1  }
0x13: {  	[smem:$0x3FB8] =	sst s0;
	s0 =	simm.s32 @!p1 $0x0  }
0x14: {  	s2 =	sld [smem:$0x3F9C];
	s0 =	simm.s32 @p1 $0x1  }
0x15: {  	[smem:$0x3FB9] =	sst s0;
	s0 =	simm.s32 @!p2 $0x0  }
0x16: {  	s3 =	sld [smem:$0x3FDB];
	s0 =	simm.s32 @p2 $0x1  }
0x17: {  	s4 =	simm.s32 $0x1BF5;
	[smem:$0x3FBB] =	sst s0  }
0x18: {  	s0 =	sld [smem:$0x3F9E];
	_ =	swait.ge [sflag:s4], $0x0  }
0x19: {  	s7 =	sld [smem:$0x3F9F]  }
0x1a: {  	s8 =	sadd.s32 $0xFFFFE003, lr  }
0x1b: {  	s9 =	sadd.s32 $0xFFFFFEF7, lr;
	s5 =	simm.s32 $0xFFFFFFFF;
	p2 =	slt.u32 s8, $0xFFFFF086  }
0x1c: {  	p1 =	slt.u32 s9, $0xF7A;
	s5 =	simm.s32 @!p2 $0x0  }
0x1d: {  	s5 =	simm.s32 @p1 $0x1;
	p0 =	seq.s32 s7, s2  }
0x1e: {  	s7 =	smul.u32 @!p0 $0xF7A, s2;
	p2 =	seq.s32 @!p0 s5, $0x0  }
0x1f: {  	s9 =	smul.u32 $0xF7A, s1;
	s8 =	simm.s32 @!p0 $0x1BF5;
	p2 =	por !p2, p0  }
0x20: {  	[sflag:s8] =	ssyncset.s32 @!p0 $0xFFFFF086;
	s6 =	sadd.s32 @!p0 s3, s7;
	s7 =	simm.s32 @!p0 $0x108  }
0x21: {  	s3 =	sadd.s32 s3, s9;
	s6 =	sadd.s32 @!p0 $0x88, s6;
	s7 =	simm.s32 @p2 $0x1082  }
0x22: {  	[simem:s7], [sflag:s8] =	dma.local @!p0 [hbm:s6], $0xF7A  }
0x23: {  	s9 =	sor.u32 $0xD0000000, s2;
	s6 =	simm.s32 $0x108;
	_ =	swait.ge @!p0 [sflag:s8], $0x0  }
0x24: {  	s3 =	sadd.s32 $0x88, s3;
	s6 =	simm.s32 @!p1 $0x1082;
	[sflag:s4] =	ssyncset.s32 $0xFFFFF086  }
0x25: {  	[simem:s6], [sflag:s4] =	dma.local [hbm:s3], $0xF7A  }
0x26: {  	[smem:$0x3F9F] =	sst s1;
	(tag) =	ssettag s2;
	_ =	strace s9  }
0x27: {  	s1 =	sld [smem:$0x3FAF]  }
0x28: {  	s2 =	sld [smem:$0x3FB0]  }
0x29: {  	s4 =	sld [smem:$0x3FB2]  }
0x2a: {  	p0 =	seq.s32 s5, $0x0;
	s5 =	sld [smem:$0x3FB3]  }
0x2b: {  	s6 =	sld [smem:$0x3FB4]  }
0x2c: {  	s7 =	sld [smem:$0x3FB5]  }
0x2d: {  	s3 =	simm.s32 $0x108;
	s8 =	sld [smem:$0x3FB6]  }
0x2e: {  	s3 =	simm.s32 @!p0 $0x1082;
	s9 =	sld [smem:$0x3FB7]  }
0x2f: {  	lr =	sadd.s32 s0, s3;
	s0 =	sld [smem:$0x3FAE]  }
0x30: {  	s3 =	sld [smem:$0x3FB1]  }
0x31: {  	[smem:$0x3FBA] =	sst s10  }
0x32: {  	s10 =	sld [smem:$0x3FB8];
	_ =	sdelay $0x3  }
0x33: {  	p0 =	seq.s32 s10, $0x1;
	s10 =	sld [smem:$0x3FBA];
	_ =	sdelay $0x3  }
0x34: {  	[smem:$0x3FBA] =	sst s10  }
0x35: {  	s10 =	sld [smem:$0x3FB9];
	_ =	sdelay $0x3  }
0x36: {  	p1 =	seq.s32 s10, $0x1;
	s10 =	sld [smem:$0x3FBA];
	_ =	sdelay $0x3  }
0x37: {  	[smem:$0x3FBA] =	sst s10  }
0x38: {  	s10 =	sld [smem:$0x3FBB]  }
0x39: {  	_ = 	snop;
	(pc) =	sbr.ind lr, $3  }
0x3a: {  	_ = 	snop  }
0x3b: {  	_ = 	snop  }
0x3c: {  	p2 =	seq.s32 s10, $0x1;
	s10 =	sld [smem:$0x3FBA]  }
0x3d: {  	_ =	shalt  }
0x3e: {  	_ =	shalt  }
0x3f: {  	_ =	shalt  }
0x40: {  	_ =	shalt  }
0x41: {  	_ =	shalt  }
0x42: {  	_ =	shalt  }
0x43: {  	_ =	shalt  }
0x44: {  	_ =	shalt  }
0x45: {  	_ =	shalt  }
0x46: {  	_ =	shalt  }
0x47: {  	_ =	shalt  }
0x48: {  	_ =	shalt  }
0x49: {  	_ =	shalt  }
0x4a: {  	_ =	shalt  }
0x4b: {  	_ =	shalt  }
0x4c: {  	_ =	shalt  }
0x4d: {  	_ =	shalt  }
0x4e: {  	_ =	shalt  }
0x4f: {  	_ =	shalt  }
0x50: {  	_ =	shalt  }
0x51: {  	_ =	shalt  }
0x52: {  	_ =	shalt  }
0x53: {  	_ =	shalt  }
0x54: {  	_ =	shalt  }
0x55: {  	_ =	shalt  }
0x56: {  	_ =	shalt  }
0x57: {  	_ =	shalt  }
0x58: {  	_ =	shalt  }
0x59: {  	_ =	shalt  }
0x5a: {  	_ =	shalt  }
0x5b: {  	_ =	shalt  }
0x5c: {  	_ =	shalt  }
0x5d: {  	_ =	shalt  }
0x5e: {  	_ =	shalt  }
0x5f: {  	_ =	shalt  }
0x60: {  	_ =	shalt  }
0x61: {  	_ =	shalt  }
0x62: {  	_ =	shalt  }
0x63: {  	_ =	shalt  }
0x64: {  	_ =	shalt  }
0x65: {  	_ =	shalt  }
0x66: {  	_ =	shalt  }
0x67: {  	_ =	shalt  }
0x68: {  	_ =	shalt  }
0x69: {  	_ =	shalt  }
0x6a: {  	_ =	shalt  }
0x6b: {  	_ =	shalt  }
0x6c: {  	_ =	shalt  }
0x6d: {  	_ =	shalt  }
0x6e: {  	_ =	shalt  }
0x6f: {  	_ =	shalt  }
0x70: {  	_ =	shalt  }
0x71: {  	_ =	shalt  }
0x72: {  	_ =	shalt  }
0x73: {  	_ =	shalt  }
0x74: {  	_ =	shalt  }
0x75: {  	_ =	shalt  }
0x76: {  	_ =	shalt  }
0x77: {  	_ =	shalt  }
0x78: {  	_ =	shalt  }
0x79: {  	_ =	shalt  }
0x7a: {  	_ =	shalt  }
0x7b: {  	_ =	shalt  }
0x7c: {  	_ =	shalt  }
0x7d: {  	_ =	shalt  }
0x7e: {  	_ =	shalt  }
0x7f: {  	_ =	shalt  }
0x80: {  	_ =	shalt  }
0x81: {  	_ =	shalt  }
0x82: {  	_ =	shalt  }
0x83: {  	_ =	shalt  }
0x84: {  	_ =	shalt  }
0x85: {  	_ =	shalt  }
0x86: {  	_ =	shalt  }
0x87: {  	_ =	shalt  }
.Lfunc_end0:
.L_simem_size_0:
called_computation_lowered:
.L_overlay_start_0:
0x88: {  	s2 =	sld [smem:$0x3FD9]  }
0x89: {  	s3 =	sld [smem:$0x3FFE];
	_ =	sdelay $0x1  }
0x8a: {  	s1 =	srdreg.scid  }
0x8b: {  	s0 =	sand.u32 $0x1, s1  }
0x8c: {  	s17 =	sshll.u32 s0, $0xA;
	s2 =	sadd.s32 s3, s2  }
0x8d: {  	s2 =	sadd.s32 s2, s17  }
0x8e: {  	[smem:$0x3FC6] =	sst s2  }
0x8f: {  	_ = 	snop  }
0x90: {  	s2 =	sld [smem:$0x3FC9]  }
0x91: {  	s18 =	sld [smem:$0x3FC8];
	(tm) =	ssettm $0x1  }
0x92: {  	s4 =	sld [smem:$0x3FFB];
	_ =	sdelay $0x3  }
0x93: {  	_ =	strace s4  }
0x94: {  	s4 =	sld [smem:$0x3FFC];
	_ =	sdelay $0x3  }
0x95: {  	_ =	strace s4  }
0x96: {  	s4 =	sld [smem:$0x3FFD];
	_ =	sdelay $0x3  }
0x97: {  	_ =	strace s4  }
0x98: {  	_ =	strace $0x8FFFFFFF  }
0x99: {  	s19 =	sld [smem:$0x3FDB];
	_ =	sdelay $0x1  }
0x9a: {  	s5 =	simm.s32 $_scs_section_size  }
0x9b: {  	s6 =	simm.s32 $_size__tile_overlayer_lowered;
	s7 =	simm.s32 $_tile_overlayer_lowered  }
0x9c: {  	s22 =	simm.s32 $0x1BFF;
	s21 =	sshll.u32 s7, $0x1;
	s4 =	sadd.s32 s5, s19  }
0x9d: {  	s8 =	simm.s32 $0x0;
	s20 =	sshll.u32 s6, $0x1;
	s6 =	sadd.s32 s21, s4  }
0x9e: {  	[timem:s8], [sflag:s22] =	dma.local [hbm:s6], s20  }
0x9f: {  	_ =	swait.ge [sflag:s22], s20  }
0xa0: {  	s5 =	ssub.s32 $0x0, s20;
	[sflag:s22] =	ssyncset.done $0x0  }
0xa1: {  	[sflag:s22] =	ssyncadd.s32 s5;
	_ =	sdelay $0x1  }
0xa2: {  	s23 =	simm.s32 $0x1B8B  }
0xa3: {  	_ =	swait.ge [sflag:s23], $0x1  }
0xa4: {  	[sflag:s23] =	ssyncset.done $0x0  }
0xa5: {  	s25 =	simm.s32 $0x1B8E;
	s24 =	sld [smem:$0x3FFE];
	[sflag:s23] =	ssyncadd.s32 $0xFFFFFFFF  }
0xa6: {  	s26 =	simm.s32 $execute0_lowered;
	[smem:$0x3FD2] =	sst s25  }
0xa7: {  	s6 =	sshll.u32 s26, $0x1;
	_ =	strace $0x80000046;
	[dreg:$0x1] =	wrdreg $0xFFFFFFFF  }
0xa8: {  	s28 =	simm.s32 $_size_execute0_lowered;
	s4 =	sadd.s32 s4, s6;
	[dreg:$0x0] =	wrdreg $0x0  }
0xa9: {  	s6 =	sshll.u32 s28, $0x1;
	[dreg:$0x2] =	wrdreg s4  }
0xaa: {  	[dreg:$0x3] =	wrdreg s6  }
0xab: {  	[dreg:$0x4] =	wrdreg $0xC0  }
0xac: {  	_ =	task [dreg:s8], $0x5FFFF  }
0xad: {  	[dreg:$0x1] =	wrdreg $0xFFFFFFFF  }
0xae: {  	[dreg:$0x0] =	wrdreg $0x60  }
0xaf: {  	[dreg:$0x2] =	wrdreg s2  }
0xb0: {  	[dreg:$0x3] =	wrdreg s18  }
0xb1: {  	[dreg:$0x4] =	wrdreg s24  }
0xb2: {  	[dreg:$0x5] =	wrdreg $0x9  }
0xb3: {  	_ =	task.clear_ibuf [dreg:s8], $0x6FFFF;
	_ =	strace $0x90000046  }
0xb4: {  	s29 =	simm.s32 $0x9;
	_ =	strace $0x80000048  }
0xb5: {  	_ =	swait.ge [sflag:s29], $0x1  }
0xb6: {  	[sflag:s29] =	ssyncadd.s32 $0xFFFFFFFF  }
0xb7: {  	_ =	strace $0x90000048  }
0xb8: {  	_ =	sfence  }
0xb9: {  	s30 =	sld [smem:$0x0];
	_ =	sdelay $0x2  }
0xba: {  	s31 =	sshll.u32 s1, $0xD;
	s1 =	sshrl.u32 s1, $0x2  }
0xbb: {  	s3 =	sand.u32 $0x4000, s31;
	s1 =	sadd.s32 s1, s30  }
0xbc: {  	s0 =	sor.u32 s3, s0;
	s1 =	sshll.u32 s1, $0x11  }
0xbd: {  	s0 =	sor.u32 s1, s0  }
0xbe: {  	s0 =	sadd.s32 $0x8F2B, s0  }
0xbf: {  	[sflag:s0] =	ssyncadd.remote.s32 $0x1  }
0xc0: {  	_ =	sfence.sel $0xFFFF  }
0xc1: {  	[dreg:$0x0] =	wrdreg $0xFFFFFFFF;
	(pc) =	sbr.abs _section_cstart, $3  }
0xc2: {  	[dreg:$0x1] =	wrdreg $0xFFFFFFFF  }
0xc3: {  	_ =	task.clear_ibuf [dreg:s8], $0x2FFFF;
	_ =	strace $0x9FFFFFFF  }
0xc4: {  	(tm) =	ssettm $0x7FFFFFFF  }
0xc5: {  	_ =	shalt  }
tec
execute0_lowered:
.L_overlay_start_1:
0x0: {  	(tag) =	ssettag $0x1  }
0x1: {  	s1 =	rddreg [dreg:$0x0]  }
0x2: {  	s2 =	rddreg [dreg:$0x1]  }
0x3: {  	s7 =	rddreg [dreg:$0x2]  }
0x4: {  	v0 =	vimm.s32 $0xEFCDAB89;
	v1 =	vimm.s32 $0x67452301;
	s0 =	rddreg [dreg:$0x3]  }
0x5: {  	s5 =	srdreg.scid;
	s3 =	stileid.u32;
	v0 =	vunpack.c.l.s4.s8 v0;
	v1 =	vunpack.c.l.s4.s8 v1  }
0x6: {  	s4 =	simm.s32 $0x0;
	v2 =	vimm.s32 $0xDCFE98BA;
	s12 =	simm.s32 $0x4000;
	s13 =	simm.s32 $0x8000  }
0x7: {  	v3 =	vimm.s32 $0xBA98FEDC;
	s14 =	simm.s32 $0xC000;
	s15 =	simm.s32 $0x1;
	s16 =	simm.s32 $0x2;
	v0 =	vunpack.c.0.s8.s32 v0;
	v1 =	vunpack.c.0.s8.s32 v1  }
0x8: {  	v4 =	vimm.s32 $0xFEDCBA98;
	v5 =	vimm.s32 $0x32107654;
	s17 =	simm.s32 $0x3;
	s18 =	simm.s32 $0x4;
	s19 =	simm.s32 $0x10000  }
0x9: {  	s20 =	simm.s32 $0x5;
	s21 =	simm.s32 $0x10080;
	s22 =	simm.s32 $0x0;
	v0 =	vcombine.low v1, v0;
	v1 =	vunpack.c.l.s4.s8 v2;
	v2 =	vimm.s32 $0x54761032  }
0xa: {  	v6 =	vimm.s32 $0x76543210;
	s5 =	sand.u32 $0x1, s5;
	s6 =	sshll.u32 s3, $0x1;
	[smem:$0x7FF] =	sst s4;
	v4 =	vunpack.c.l.s4.s8 v4;
	v2 =	vunpack.c.l.s4.s8 v2  }
0xb: {  	v3 =	vunpack.c.l.s4.s8 v3;
	v5 =	vunpack.c.l.s4.s8 v5;
	v6 =	vunpack.c.l.s4.s8 v6;
	s8 =	ssub.s32 $0x2, s5;
	s5 =	sor.u32 s5, s6;
	_ =	strace $0x80000047  }
0xc: {  	s29 =	sshrl.u32 s8, $0x1;
	s9 =	sshll.u32 s5, $0xF;
	s31 =	sshll.u32 s5, $0x4;
	v4 =	vunpack.c.0.s8.s32 v4;
	v1 =	vunpack.c.0.s8.s32 v1;
	v2 =	vunpack.c.0.s8.s32 v2  }
0xd: {  	s5 =	sshll.u32 s5, $0x8;
	v3 =	vunpack.c.0.s8.s32 v3;
	v5 =	vunpack.c.0.s8.s32 v5;
	v6 =	vunpack.c.0.s8.s32 v6;
	s11 =	ssub.s32 s8, s29;
	s30 =	sor.u32 $0x300000, s9  }
0xe: {  	v7 =	vimm.f32 $1.000000000e+00;
	s7 =	sadd.s32 s7, s31;
	s9 =	sor.u32 $0x6020, s5;
	s6 =	sadd.s32 s1, s30;
	v4 =	vand.u32 $0xF, v4;
	v1 =	vcombine.low v2, v1  }
0xf: {  	s8 =	sadd.s32 s2, s30;
	s10 =	sadd.s32 $0x200, s7;
	s11 =	smax.u32 s11, $0x1;
	v2 =	vcombine.low v5, v3;
	v3 =	vcombine.low v4, v6;
	v4 =	vand.u32 $0x7FFFFFFF, v7  }
.LBB2_1:
0x10: {  	[tilespmem:s4], [sflag:$0x1] =	stream.linear.gather [hbm4b:s6+s4], $0x4000, $0x38;
	[tilespmem:$0x10100] =	vst v63  }
0x11: {  	s23 =	simm.s32 $0x0  }
0x12: {  	v5 =	vimm.f32 $0.0e+00;
	v6 =	vimm.f32 $0.0e+00;
	[tilespmem:s12], [sflag:$0x2] =	stream.linear.gather [hbm4b:s8+s4], $0x4000, $0x38;
	[tilespmem:$0x10100] =	vst v63  }
.LBB2_2:
0x13: {  	s24 =	sshll.u32 s23, $0x5  }
0x14: {  	s25 =	sor.u32 s24, s5  }
0x15: {  	s25 =	sshll.u32 s25, $0x7  }
0x16: {  	s26 =	sor.u32 $0x300800, s25  }
0x17: {  	s25 =	simm.s32 $0x0;
	s28 =	sadd.s32 s1, s26  }
0x18: {  	[tilespmem:s13], [sflag:$0x3] =	stream.linear.gather [hbm4b:s28+s25], $0x4000, $0x38;
	[tilespmem:$0x10100] =	vst v63  }
0x19: {  	s26 =	sadd.s32 s2, s26  }
0x1a: {  	[tilespmem:s14], [sflag:$0x4] =	stream.linear.gather [hbm4b:s26+s25], $0x4000, $0x38;
	[tilespmem:$0x10100] =	vst v63  }
0x1b: {  	_ =	swait.ge [sflag:s15], $0x4000  }
0x1c: {  	[sflag:s15] =	ssyncset.done $0x0  }
0x1d: {  	[sflag:s15] =	ssyncadd.s32 $0xFFFFC000  }
0x1e: {  	_ =	swait.ge [sflag:s16], $0x4000  }
0x1f: {  	[sflag:s16] =	ssyncset.done $0x0  }
0x20: {  	s26 =	simm.s32 $0x0;
	[sflag:s16] =	ssyncadd.s32 $0xFFFFC000  }
.LBB2_3:
0x21: {  	s28 =	sshll.u32 s26, $0xC;
	s29 =	sand.u32 $0x7, s25  }
0x22: {  	s28 =	sand.u32 $0xFFFF8000, s28;
	s29 =	sshll.u32 s29, $0x9  }
0x23: {  	s28 =	sor.u32 s29, s28  }
0x24: {  	s28 =	sshrl.u32 s28, $0x2  }
0x25: {  	s29 =	sadd.s32 $0x4040, s28  }
0x26: {  	s28 =	sor.u32 $0x70, s28;
	v8 =	vmov s29  }
0x27: {  	v7 =	vmov s28;
	_ =	sdelay $0x2  }
0x28: {  	s29 =	simm.s32 $0x0  }
0x29: {  	v9 =	vld.idx.msk [tilespmem:v8+s29+$0xFFFFFFC0 ss:$0x1], $0xffff  }
0x2a: {  	v10 =	vld.idx.msk [tilespmem:v7+s29+$0xFFFFFF90 ss:$0x1], $0xffff  }
0x2b: {  	v11 =	vld.idx.msk [tilespmem:v8+s29+$0xFFFFFFD0 ss:$0x1], $0xffff  }
0x2c: {  	v12 =	vld.idx.msk [tilespmem:v7+s29+$0xFFFFFFA0 ss:$0x1], $0xffff  }
0x2d: {  	v16 =	vld.idx.msk [tilespmem:v8+s29+$0xFFFFFFE0 ss:$0x1], $0xffff  }
0x2e: {  	v14 =	vld.idx.msk [tilespmem:v7+s29+$0xFFFFFFB0 ss:$0x1], $0xffff  }
0x2f: {  	v18 =	vld.idx.msk [tilespmem:v8+s29+$0xFFFFFFF0 ss:$0x1], $0xffff  }
0x30: {  	v15 =	vld.idx.msk [tilespmem:v7+s29+$0xFFFFFFC0 ss:$0x1], $0xffff  }
0x31: {  	v17 =	vimm.f32 $0.0e+00;
	v10 =	vsub.f32 v10, v9  }
0x32: {  	v13 =	vld.idx.msk [tilespmem:v8+s29+$0x0 ss:$0x1], $0xffff;
	v20 =	vadd.f32 v9, v17  }
0x33: {  	v19 =	vld.idx.msk [tilespmem:v7+s29+$0xFFFFFFD0 ss:$0x1], $0xffff;
	v12 =	vsub.f32 v12, v11;
	v10 =	vand.u32 $0x7FFFFFFF, v10  }
0x34: {  	v9 =	vld.idx.msk [tilespmem:v8+s29+$0x10 ss:$0x1], $0xffff;
	v11 =	vadd.f32 v11, v20;
	v10 =	vadd.f32 v10, v17  }
0x35: {  	v12 =	vand.u32 $0x7FFFFFFF, v12;
	v20 =	vsub.f32 v15, v18;
	v15 =	vld.idx.msk [tilespmem:v7+s29+$0xFFFFFFF0 ss:$0x1], $0xffff;
	v17 =	vsub.f32 v14, v16  }
0x36: {  	v14 =	vld.idx.msk [tilespmem:v7+s29+$0xFFFFFFE0 ss:$0x1], $0xffff;
	v12 =	vadd.f32 v12, v10  }
0x37: {  	v21 =	vadd.f32 v16, v11;
	v11 =	vld.idx.msk [tilespmem:v8+s29+$0x30 ss:$0x1], $0xffff;
	v17 =	vand.u32 $0x7FFFFFFF, v17  }
0x38: {  	v10 =	vld.idx.msk [tilespmem:v8+s29+$0x20 ss:$0x1], $0xffff;
	v22 =	vadd.f32 v17, v12  }
0x39: {  	s28 =	simm.s32 $0x400;
	v20 =	vand.u32 $0x7FFFFFFF, v20;
	v16 =	vld.idx.msk [tilespmem:v7+s29+$0x0 ss:$0x1], $0xffff;
	v17 =	vsub.f32 v19, v13  }
0x3a: {  	s29 =	simm.s32 $0x2000;
	v12 =	vld.idx.msk [tilespmem:v8+s28+$0xFFFFFFC0 ss:$0x1], $0xffff;
	v19 =	vadd.f32 v18, v21;
	v18 =	vadd.f32 v20, v22  }
.LBB2_4:
0x3b: {  	p0 =	sne.s32 s29, $0x7000;
	v20 =	vld.idx.msk [tilespmem:v7+s28+$0xFFFFFF90 ss:$0x1], $0xffff;
	v17 =	vand.u32 $0x7FFFFFFF, v17;
	v14 =	vsub.f32 v14, v9  }
0x3c: {  	v21 =	vld.idx.msk [tilespmem:v8+s28+$0xFFFFFFD0 ss:$0x1], $0xffff;
	v13 =	vadd.f32 v13, v19;
	v17 =	vadd.f32 v17, v18  }
0x3d: {  	v15 =	vsub.f32 v15, v10;
	v18 =	vld.idx.msk [tilespmem:v7+s28+$0xFFFFFFA0 ss:$0x1], $0xffff;
	v14 =	vand.u32 $0x7FFFFFFF, v14  }
0x3e: {  	v19 =	vld.idx.msk [tilespmem:v8+s28+$0xFFFFFFE0 ss:$0x1], $0xffff;
	v9 =	vadd.f32 v9, v13;
	v13 =	vadd.f32 v14, v17  }
0x3f: {  	v15 =	vand.u32 $0x7FFFFFFF, v15;
	v16 =	vsub.f32 v16, v11;
	v14 =	vld.idx.msk [tilespmem:v7+s28+$0xFFFFFFB0 ss:$0x1], $0xffff  }
0x40: {  	v22 =	vld.idx.msk [tilespmem:v8+s28+$0xFFFFFFF0 ss:$0x1], $0xffff;
	v9 =	vadd.f32 v10, v9;
	v10 =	vadd.f32 v15, v13  }
0x41: {  	v15 =	vsub.f32 v20, v12;
	v16 =	vand.u32 $0x7FFFFFFF, v16;
	v17 =	vld.idx.msk [tilespmem:v7+s28+$0xFFFFFFC0 ss:$0x1], $0xffff  }
0x42: {  	v13 =	vld.idx.msk [tilespmem:v8+s28+$0x0 ss:$0x1], $0xffff;
	v9 =	vadd.f32 v11, v9;
	v10 =	vadd.f32 v16, v10  }
0x43: {  	v11 =	vand.u32 $0x7FFFFFFF, v15;
	v15 =	vsub.f32 v18, v21;
	v16 =	vld.idx.msk [tilespmem:v7+s28+$0xFFFFFFD0 ss:$0x1], $0xffff  }
0x44: {  	v12 =	vadd.f32 v12, v9;
	v10 =	vadd.f32 v11, v10;
	v9 =	vld.idx.msk [tilespmem:v8+s28+$0x10 ss:$0x1], $0xffff  }
0x45: {  	v11 =	vand.u32 $0x7FFFFFFF, v15;
	v15 =	vsub.f32 v14, v19;
	v14 =	vld.idx.msk [tilespmem:v7+s28+$0xFFFFFFE0 ss:$0x1], $0xffff  }
.Ltmp0:
0x46: {  	v12 =	vadd.f32 v21, v12;
	v11 =	vadd.f32 v11, v10;
	v10 =	vld.idx.msk [tilespmem:v8+s28+$0x20 ss:$0x1], $0xffff;
	(pc) =	sbr.rel @p0 .LBB2_4-.Ltmp0, $4  }
0x47: {  	v18 =	vand.u32 $0x7FFFFFFF, v15;
	v17 =	vsub.f32 v17, v22;
	v15 =	vld.idx.msk [tilespmem:v7+s28+$0xFFFFFFF0 ss:$0x1], $0xffff  }
0x48: {  	v19 =	vadd.f32 v19, v12;
	v18 =	vadd.f32 v18, v11;
	v11 =	vld.idx.msk [tilespmem:v8+s28+$0x30 ss:$0x1], $0xffff  }
0x49: {  	v20 =	vand.u32 $0x7FFFFFFF, v17;
	v17 =	vsub.f32 v16, v13;
	v16 =	vld.idx.msk [tilespmem:v7+s28+$0x0 ss:$0x1], $0xffff;
	s28 =	sshra.s32 s29, $0x2  }
0x4a: {  	s29 =	sadd.s32 $0x1000, s29;
	v12 =	vld.idx.msk [tilespmem:v8+s28+$0xFFFFFFC0 ss:$0x1], $0xffff;
	v19 =	vadd.f32 v22, v19;
	v18 =	vadd.f32 v20, v18  }
0x4b: {  	_ = 	snop  }
0x4c: {  	v13 =	vadd.f32 v13, v19;
	_ =	sdelay $0x1  }
0x4d: {  	v13 =	vadd.f32 v9, v13;
	_ =	sdelay $0x1  }
0x4e: {  	v13 =	vadd.f32 v10, v13  }
0x4f: {  	v37 =	vld.idx.msk [tilespmem:v8+s28+$0xFFFFFFD0 ss:$0x1], $0xffff  }
0x50: {  	v13 =	vadd.f32 v11, v13  }
0x51: {  	v20 =	vld.idx.msk [tilespmem:v8+s28+$0xFFFFFFE0 ss:$0x1], $0xffff  }
0x52: {  	v13 =	vadd.f32 v12, v13  }
0x53: {  	v21 =	vld.idx.msk [tilespmem:v8+s28+$0xFFFFFFF0 ss:$0x1], $0xffff  }
0x54: {  	v13 =	vadd.f32 v37, v13  }
0x55: {  	v22 =	vld.idx.msk [tilespmem:v8+s28+$0x0 ss:$0x1], $0xffff  }
0x56: {  	v13 =	vadd.f32 v20, v13  }
0x57: {  	v23 =	vld.idx.msk [tilespmem:v8+s28+$0x10 ss:$0x1], $0xffff  }
0x58: {  	v13 =	vadd.f32 v21, v13  }
0x59: {  	v24 =	vld.idx.msk [tilespmem:v8+s28+$0x20 ss:$0x1], $0xffff  }
0x5a: {  	v13 =	vadd.f32 v22, v13  }
0x5b: {  	v8 =	vld.idx.msk [tilespmem:v8+s28+$0x30 ss:$0x1], $0xffff  }
0x5c: {  	v13 =	vadd.f32 v23, v13;
	_ =	sdelay $0x1  }
0x5d: {  	v38 =	vsub.f32 v14, v9;
	v39 =	vand.u32 $0x7FFFFFFF, v17;
	v13 =	vadd.f32 v24, v13  }
0x5e: {  	v40 =	vld.idx.msk [tilespmem:v7+s28+$0xFFFFFF90 ss:$0x1], $0xffff;
	v14 =	vadd.f32 v39, v18  }
0x5f: {  	v41 =	vsub.f32 v15, v10;
	v9 =	vand.u32 $0x7FFFFFFF, v38;
	v13 =	vadd.f32 v8, v13  }
0x60: {  	v42 =	vld.idx.msk [tilespmem:v7+s28+$0xFFFFFFA0 ss:$0x1], $0xffff;
	v9 =	vadd.f32 v9, v14  }
0x61: {  	v43 =	vsub.f32 v16, v11;
	v10 =	vand.u32 $0x7FFFFFFF, v41;
	v44 =	vperm.xlane v13, v0  }
0x62: {  	v45 =	vld.idx.msk [tilespmem:v7+s28+$0xFFFFFFB0 ss:$0x1], $0xffff;
	v9 =	vadd.f32 v10, v9  }
0x63: {  	v46 =	vsub.f32 v40, v12;
	v11 =	vand.u32 $0x7FFFFFFF, v43;
	v13 =	vadd.f32 v44, v13  }
0x64: {  	v47 =	vld.idx.msk [tilespmem:v7+s28+$0xFFFFFFC0 ss:$0x1], $0xffff;
	v9 =	vadd.f32 v11, v9  }
0x65: {  	v49 =	vsub.f32 v42, v37;
	v48 =	vand.u32 $0x7FFFFFFF, v46;
	v50 =	vperm.xlane v13, v1  }
0x66: {  	v51 =	vld.idx.msk [tilespmem:v7+s28+$0xFFFFFFD0 ss:$0x1], $0xffff;
	v9 =	vadd.f32 v48, v9  }
0x67: {  	v10 =	vsub.f32 v45, v20;
	v52 =	vand.u32 $0x7FFFFFFF, v49;
	v53 =	vadd.f32 v50, v13  }
0x68: {  	v54 =	vld.idx.msk [tilespmem:v7+s28+$0xFFFFFFE0 ss:$0x1], $0xffff;
	v9 =	vadd.f32 v52, v9  }
0x69: {  	v56 =	vld.idx.msk [tilespmem:v7+s28+$0xFFFFFFF0 ss:$0x1], $0xffff;
	v55 =	vsub.f32 v47, v21;
	v10 =	vand.u32 $0x7FFFFFFF, v10;
	v57 =	vperm.xlane v53, v2  }
0x6a: {  	v9 =	vadd.f32 v10, v9  }
0x6b: {  	v7 =	vld.idx.msk [tilespmem:v7+s28+$0x0 ss:$0x1], $0xffff;
	v59 =	vsub.f32 v51, v22;
	v58 =	vand.u32 $0x7FFFFFFF, v55;
	v12 =	vadd.f32 v57, v53  }
0x6c: {  	v9 =	vadd.f32 v58, v9  }
0x6d: {  	v61 =	vsub.f32 v54, v23;
	v60 =	vand.u32 $0x7FFFFFFF, v59;
	v62 =	vperm.xlane v12, v3  }
0x6e: {  	v63 =	vsub.f32 v56, v24;
	v9 =	vadd.f32 v60, v9  }
0x6f: {  	v11 =	vand.u32 $0x7FFFFFFF, v61;
	v12 =	vadd.f32 v62, v12  }
0x70: {  	v7 =	vsub.f32 v7, v8;
	v10 =	vand.u32 $0x7FFFFFFF, v63;
	v9 =	vadd.f32 v11, v9  }
0x71: {  	v8 =	vand.u32 $0x80000000, v12;
	vm0 =	vlt.f32 v12, $0.0e+00;
	vm1 =	vgt.f32 v12, $0.0e+00  }
0x72: {  	s26 =	sadd.s32 $0x1, s26;
	v9 =	vadd.f32 v10, v9;
	v8 =	vor.u32 v8, v4;
	vm0 =	vmor vm1, vm0  }
0x73: {  	p0 =	sne.s32 s26, $0x10;
	v7 =	vand.u32 $0x7FFFFFFF, v7;
	v8 =	vsel vm0, v8, v12  }
.Ltmp1:
0x74: {  	v7 =	vadd.f32 v7, v9;
	v8 =	vmul.f32 v8, v8;
	(pc) =	sbr.rel @p0 .LBB2_3-.Ltmp1, $3  }
0x75: {  	_ = 	snop  }
0x76: {  	v7 =	vmul.f32 v8, v7;
	_ =	sdelay $0x1  }
0x77: {  	s25 =	sadd.s32 $0x1, s25;
	v5 =	vadd.f32 v8, v5;
	v6 =	vadd.f32 v7, v6  }
0x78: {  	p0 =	seq.s32 s23, $0x7  }
0x79: {  	s24 =	sadd.s32 @!p0 s24, s9  }
0x7a: {  	s24 =	sshll.u32 @!p0 s24, $0x7  }
0x7b: {  	s26 =	simm.s32 @!p0 $0x0;
	s25 =	sadd.s32 @!p0 s1, s24  }
0x7c: {  	[tilespmem:s26], [sflag:$0x1] =	stream.linear.gather @!p0 [hbm4b:s25+s26], $0x4000, $0x38;
	[tilespmem:$0x10100] =	vst v63  }
0x7d: {  	s24 =	sadd.s32 @!p0 s2, s24;
	s25 =	simm.s32 @!p0 $0x4000  }
0x7e: {  	[tilespmem:s25], [sflag:$0x2] =	stream.linear.gather @!p0 [hbm4b:s24+s26], $0x4000, $0x38;
	[tilespmem:$0x10100] =	vst v63  }
0x7f: {  	_ =	swait.ge [sflag:s17], $0x4000  }
0x80: {  	[sflag:s17] =	ssyncset.done $0x0  }
0x81: {  	[sflag:s17] =	ssyncadd.s32 $0xFFFFC000  }
0x82: {  	_ =	swait.ge [sflag:s18], $0x4000  }
0x83: {  	[sflag:s18] =	ssyncset.done $0x0  }
0x84: {  	s24 =	simm.s32 $0x0;
	s25 =	simm.s32 $0x0;
	[sflag:s18] =	ssyncadd.s32 $0xFFFFC000  }
.LBB2_7:
0x85: {  	s26 =	sshll.u32 s25, $0xC;
	s28 =	sand.u32 $0x7, s24  }
0x86: {  	s26 =	sand.u32 $0xFFFF8000, s26;
	s28 =	sshll.u32 s28, $0x9  }
0x87: {  	s26 =	sor.u32 s28, s26  }
0x88: {  	s26 =	sshrl.u32 s26, $0x2  }
0x89: {  	s28 =	sadd.s32 $0xC040, s26  }
0x8a: {  	s26 =	sadd.s32 $0x8070, s26;
	v8 =	vmov s28  }
0x8b: {  	v7 =	vmov s26;
	_ =	sdelay $0x2  }
0x8c: {  	s28 =	simm.s32 $0x0  }
0x8d: {  	v9 =	vld.idx.msk [tilespmem:v8+s28+$0xFFFFFFC0 ss:$0x1], $0xffff  }
0x8e: {  	v10 =	vld.idx.msk [tilespmem:v7+s28+$0xFFFFFF90 ss:$0x1], $0xffff  }
0x8f: {  	v11 =	vld.idx.msk [tilespmem:v8+s28+$0xFFFFFFD0 ss:$0x1], $0xffff  }
0x90: {  	v12 =	vld.idx.msk [tilespmem:v7+s28+$0xFFFFFFA0 ss:$0x1], $0xffff  }
0x91: {  	v16 =	vld.idx.msk [tilespmem:v8+s28+$0xFFFFFFE0 ss:$0x1], $0xffff  }
0x92: {  	v14 =	vld.idx.msk [tilespmem:v7+s28+$0xFFFFFFB0 ss:$0x1], $0xffff  }
0x93: {  	v18 =	vld.idx.msk [tilespmem:v8+s28+$0xFFFFFFF0 ss:$0x1], $0xffff  }
0x94: {  	v15 =	vld.idx.msk [tilespmem:v7+s28+$0xFFFFFFC0 ss:$0x1], $0xffff  }
0x95: {  	v17 =	vimm.f32 $0.0e+00;
	v10 =	vsub.f32 v10, v9  }
0x96: {  	v13 =	vld.idx.msk [tilespmem:v8+s28+$0x0 ss:$0x1], $0xffff;
	v20 =	vadd.f32 v9, v17  }
0x97: {  	v19 =	vld.idx.msk [tilespmem:v7+s28+$0xFFFFFFD0 ss:$0x1], $0xffff;
	v12 =	vsub.f32 v12, v11;
	v10 =	vand.u32 $0x7FFFFFFF, v10  }
0x98: {  	v9 =	vld.idx.msk [tilespmem:v8+s28+$0x10 ss:$0x1], $0xffff;
	v11 =	vadd.f32 v11, v20;
	v10 =	vadd.f32 v10, v17  }
0x99: {  	v12 =	vand.u32 $0x7FFFFFFF, v12;
	v20 =	vsub.f32 v15, v18;
	v15 =	vld.idx.msk [tilespmem:v7+s28+$0xFFFFFFF0 ss:$0x1], $0xffff;
	v17 =	vsub.f32 v14, v16  }
0x9a: {  	v14 =	vld.idx.msk [tilespmem:v7+s28+$0xFFFFFFE0 ss:$0x1], $0xffff;
	v12 =	vadd.f32 v12, v10  }
0x9b: {  	v21 =	vadd.f32 v16, v11;
	v11 =	vld.idx.msk [tilespmem:v8+s28+$0x30 ss:$0x1], $0xffff;
	v17 =	vand.u32 $0x7FFFFFFF, v17  }
0x9c: {  	v10 =	vld.idx.msk [tilespmem:v8+s28+$0x20 ss:$0x1], $0xffff;
	v22 =	vadd.f32 v17, v12  }
0x9d: {  	s26 =	simm.s32 $0x400;
	v20 =	vand.u32 $0x7FFFFFFF, v20;
	v16 =	vld.idx.msk [tilespmem:v7+s28+$0x0 ss:$0x1], $0xffff;
	v17 =	vsub.f32 v19, v13  }
0x9e: {  	s28 =	simm.s32 $0x2000;
	v12 =	vld.idx.msk [tilespmem:v8+s26+$0xFFFFFFC0 ss:$0x1], $0xffff;
	v19 =	vadd.f32 v18, v21;
	v18 =	vadd.f32 v20, v22  }
.LBB2_8:
0x9f: {  	p0 =	sne.s32 s28, $0x7000;
	v20 =	vld.idx.msk [tilespmem:v7+s26+$0xFFFFFF90 ss:$0x1], $0xffff;
	v17 =	vand.u32 $0x7FFFFFFF, v17;
	v14 =	vsub.f32 v14, v9  }
0xa0: {  	v21 =	vld.idx.msk [tilespmem:v8+s26+$0xFFFFFFD0 ss:$0x1], $0xffff;
	v13 =	vadd.f32 v13, v19;
	v17 =	vadd.f32 v17, v18  }
0xa1: {  	v15 =	vsub.f32 v15, v10;
	v18 =	vld.idx.msk [tilespmem:v7+s26+$0xFFFFFFA0 ss:$0x1], $0xffff;
	v14 =	vand.u32 $0x7FFFFFFF, v14  }
0xa2: {  	v19 =	vld.idx.msk [tilespmem:v8+s26+$0xFFFFFFE0 ss:$0x1], $0xffff;
	v9 =	vadd.f32 v9, v13;
	v13 =	vadd.f32 v14, v17  }
0xa3: {  	v15 =	vand.u32 $0x7FFFFFFF, v15;
	v16 =	vsub.f32 v16, v11;
	v14 =	vld.idx.msk [tilespmem:v7+s26+$0xFFFFFFB0 ss:$0x1], $0xffff  }
0xa4: {  	v22 =	vld.idx.msk [tilespmem:v8+s26+$0xFFFFFFF0 ss:$0x1], $0xffff;
	v9 =	vadd.f32 v10, v9;
	v10 =	vadd.f32 v15, v13  }
0xa5: {  	v15 =	vsub.f32 v20, v12;
	v16 =	vand.u32 $0x7FFFFFFF, v16;
	v17 =	vld.idx.msk [tilespmem:v7+s26+$0xFFFFFFC0 ss:$0x1], $0xffff  }
0xa6: {  	v13 =	vld.idx.msk [tilespmem:v8+s26+$0x0 ss:$0x1], $0xffff;
	v9 =	vadd.f32 v11, v9;
	v10 =	vadd.f32 v16, v10  }
0xa7: {  	v11 =	vand.u32 $0x7FFFFFFF, v15;
	v15 =	vsub.f32 v18, v21;
	v16 =	vld.idx.msk [tilespmem:v7+s26+$0xFFFFFFD0 ss:$0x1], $0xffff  }
0xa8: {  	v12 =	vadd.f32 v12, v9;
	v10 =	vadd.f32 v11, v10;
	v9 =	vld.idx.msk [tilespmem:v8+s26+$0x10 ss:$0x1], $0xffff  }
0xa9: {  	v11 =	vand.u32 $0x7FFFFFFF, v15;
	v15 =	vsub.f32 v14, v19;
	v14 =	vld.idx.msk [tilespmem:v7+s26+$0xFFFFFFE0 ss:$0x1], $0xffff  }
.Ltmp2:
0xaa: {  	v12 =	vadd.f32 v21, v12;
	v11 =	vadd.f32 v11, v10;
	v10 =	vld.idx.msk [tilespmem:v8+s26+$0x20 ss:$0x1], $0xffff;
	(pc) =	sbr.rel @p0 .LBB2_8-.Ltmp2, $4  }
0xab: {  	v18 =	vand.u32 $0x7FFFFFFF, v15;
	v17 =	vsub.f32 v17, v22;
	v15 =	vld.idx.msk [tilespmem:v7+s26+$0xFFFFFFF0 ss:$0x1], $0xffff  }
0xac: {  	v19 =	vadd.f32 v19, v12;
	v18 =	vadd.f32 v18, v11;
	v11 =	vld.idx.msk [tilespmem:v8+s26+$0x30 ss:$0x1], $0xffff  }
0xad: {  	v20 =	vand.u32 $0x7FFFFFFF, v17;
	v17 =	vsub.f32 v16, v13;
	v16 =	vld.idx.msk [tilespmem:v7+s26+$0x0 ss:$0x1], $0xffff;
	s26 =	sshra.s32 s28, $0x2  }
0xae: {  	s28 =	sadd.s32 $0x1000, s28;
	v12 =	vld.idx.msk [tilespmem:v8+s26+$0xFFFFFFC0 ss:$0x1], $0xffff;
	v19 =	vadd.f32 v22, v19;
	v18 =	vadd.f32 v20, v18  }
0xaf: {  	_ = 	snop  }
0xb0: {  	v13 =	vadd.f32 v13, v19;
	_ =	sdelay $0x1  }
0xb1: {  	v13 =	vadd.f32 v9, v13;
	_ =	sdelay $0x1  }
0xb2: {  	v13 =	vadd.f32 v10, v13  }
0xb3: {  	v37 =	vld.idx.msk [tilespmem:v8+s26+$0xFFFFFFD0 ss:$0x1], $0xffff  }
0xb4: {  	v13 =	vadd.f32 v11, v13  }
0xb5: {  	v20 =	vld.idx.msk [tilespmem:v8+s26+$0xFFFFFFE0 ss:$0x1], $0xffff  }
0xb6: {  	v13 =	vadd.f32 v12, v13  }
0xb7: {  	v21 =	vld.idx.msk [tilespmem:v8+s26+$0xFFFFFFF0 ss:$0x1], $0xffff  }
0xb8: {  	v13 =	vadd.f32 v37, v13  }
0xb9: {  	v22 =	vld.idx.msk [tilespmem:v8+s26+$0x0 ss:$0x1], $0xffff  }
0xba: {  	v13 =	vadd.f32 v20, v13  }
0xbb: {  	v23 =	vld.idx.msk [tilespmem:v8+s26+$0x10 ss:$0x1], $0xffff  }
0xbc: {  	v13 =	vadd.f32 v21, v13  }
0xbd: {  	v24 =	vld.idx.msk [tilespmem:v8+s26+$0x20 ss:$0x1], $0xffff  }
0xbe: {  	v13 =	vadd.f32 v22, v13  }
0xbf: {  	v8 =	vld.idx.msk [tilespmem:v8+s26+$0x30 ss:$0x1], $0xffff  }
0xc0: {  	v13 =	vadd.f32 v23, v13;
	_ =	sdelay $0x1  }
0xc1: {  	v38 =	vsub.f32 v14, v9;
	v39 =	vand.u32 $0x7FFFFFFF, v17;
	v13 =	vadd.f32 v24, v13  }
0xc2: {  	v40 =	vld.idx.msk [tilespmem:v7+s26+$0xFFFFFF90 ss:$0x1], $0xffff;
	v14 =	vadd.f32 v39, v18  }
0xc3: {  	v41 =	vsub.f32 v15, v10;
	v9 =	vand.u32 $0x7FFFFFFF, v38;
	v13 =	vadd.f32 v8, v13  }
0xc4: {  	v42 =	vld.idx.msk [tilespmem:v7+s26+$0xFFFFFFA0 ss:$0x1], $0xffff;
	v9 =	vadd.f32 v9, v14  }
0xc5: {  	v43 =	vsub.f32 v16, v11;
	v10 =	vand.u32 $0x7FFFFFFF, v41;
	v44 =	vperm.xlane v13, v0  }
0xc6: {  	v45 =	vld.idx.msk [tilespmem:v7+s26+$0xFFFFFFB0 ss:$0x1], $0xffff;
	v9 =	vadd.f32 v10, v9  }
0xc7: {  	v46 =	vsub.f32 v40, v12;
	v11 =	vand.u32 $0x7FFFFFFF, v43;
	v13 =	vadd.f32 v44, v13  }
0xc8: {  	v47 =	vld.idx.msk [tilespmem:v7+s26+$0xFFFFFFC0 ss:$0x1], $0xffff;
	v9 =	vadd.f32 v11, v9  }
0xc9: {  	v49 =	vsub.f32 v42, v37;
	v48 =	vand.u32 $0x7FFFFFFF, v46;
	v50 =	vperm.xlane v13, v1  }
0xca: {  	v51 =	vld.idx.msk [tilespmem:v7+s26+$0xFFFFFFD0 ss:$0x1], $0xffff;
	v9 =	vadd.f32 v48, v9  }
0xcb: {  	v10 =	vsub.f32 v45, v20;
	v52 =	vand.u32 $0x7FFFFFFF, v49;
	v53 =	vadd.f32 v50, v13  }
0xcc: {  	v54 =	vld.idx.msk [tilespmem:v7+s26+$0xFFFFFFE0 ss:$0x1], $0xffff;
	v9 =	vadd.f32 v52, v9  }
0xcd: {  	v56 =	vld.idx.msk [tilespmem:v7+s26+$0xFFFFFFF0 ss:$0x1], $0xffff;
	v55 =	vsub.f32 v47, v21;
	v10 =	vand.u32 $0x7FFFFFFF, v10;
	v57 =	vperm.xlane v53, v2  }
0xce: {  	v9 =	vadd.f32 v10, v9  }
0xcf: {  	v7 =	vld.idx.msk [tilespmem:v7+s26+$0x0 ss:$0x1], $0xffff;
	v59 =	vsub.f32 v51, v22;
	v58 =	vand.u32 $0x7FFFFFFF, v55;
	v12 =	vadd.f32 v57, v53  }
0xd0: {  	v9 =	vadd.f32 v58, v9  }
0xd1: {  	v61 =	vsub.f32 v54, v23;
	v60 =	vand.u32 $0x7FFFFFFF, v59;
	v62 =	vperm.xlane v12, v3  }
0xd2: {  	v63 =	vsub.f32 v56, v24;
	v9 =	vadd.f32 v60, v9  }
0xd3: {  	v11 =	vand.u32 $0x7FFFFFFF, v61;
	v12 =	vadd.f32 v62, v12  }
0xd4: {  	v7 =	vsub.f32 v7, v8;
	v10 =	vand.u32 $0x7FFFFFFF, v63;
	v9 =	vadd.f32 v11, v9  }
0xd5: {  	v8 =	vand.u32 $0x80000000, v12;
	vm0 =	vlt.f32 v12, $0.0e+00;
	vm1 =	vgt.f32 v12, $0.0e+00  }
0xd6: {  	s25 =	sadd.s32 $0x1, s25;
	v9 =	vadd.f32 v10, v9;
	v8 =	vor.u32 v8, v4;
	vm0 =	vmor vm1, vm0  }
0xd7: {  	p0 =	sne.s32 s25, $0x10;
	v7 =	vand.u32 $0x7FFFFFFF, v7;
	v8 =	vsel vm0, v8, v12  }
.Ltmp3:
0xd8: {  	v7 =	vadd.f32 v7, v9;
	v8 =	vmul.f32 v8, v8;
	(pc) =	sbr.rel @p0 .LBB2_7-.Ltmp3, $3  }
0xd9: {  	_ = 	snop  }
0xda: {  	v7 =	vmul.f32 v8, v7;
	_ =	sdelay $0x1  }
0xdb: {  	s24 =	sadd.s32 $0x1, s24;
	v5 =	vadd.f32 v8, v5;
	v6 =	vadd.f32 v7, v6  }
0xdc: {  	s23 =	sadd.s32 $0x1, s23  }
0xdd: {  	p0 =	sne.s32 s23, $0x8  }
.Ltmp4:
0xde: {  	_ = 	snop;
	(pc) =	sbr.rel @p0 .LBB2_2-.Ltmp4, $1  }
0xdf: {  	_ =	sdelay $0x3  }
0xe0: {  	[tilespmem:$0x10000] =	vst v6  }
0xe1: {  	[tilespmem:$0x10080] =	vst v5  }
0xe2: {  	[hbm4b:s7+s4] =	stream.linear.scatter [tilespmem:s19], [sflag:$0x5], $0x80, $0x38;
	[tilespmem:$0x10100] =	vst v63  }
0xe3: {  	s22 =	sadd.s32 $0x1, s22;
	_ =	swait.ge [sflag:s20], $0x80  }
0xe4: {  	p0 =	sne.s32 s22, s11;
	[sflag:s20] =	ssyncset.done $0x0  }
.Ltmp5:
0xe5: {  	[sflag:s20] =	ssyncadd.s32 $0xFFFFFF80;
	(pc) =	sbr.rel @p0 .LBB2_1-.Ltmp5, $4  }
0xe6: {  	[hbm4b:s10+s4] =	stream.linear.scatter [tilespmem:s21], [sflag:$0x5], $0x80, $0x38;
	[tilespmem:$0x10100] =	vst v63  }
0xe7: {  	_ =	swait.ge [sflag:s20], $0x80  }
0xe8: {  	[sflag:s20] =	ssyncset.done $0x0  }
0xe9: {  	[sflag:s20] =	ssyncadd.s32 $0xFFFFFF80  }
0xea: {  	_ =	sfence.sel $0x180000  }
0xeb: {  	[bflag:$0x0] =	sbarrier.arrive $0xFFFF  }
0xec: {  	p0 =	sne.s32 s3, $0x0;
	_ =	strace $0x90000047  }
0xed: {  	s0 =	sadd.s32 @!p0 $0x100000, s0;
	[bflag:$0x2] =	sbarrier.arrive $0xFFFF  }
0xee: {  	[sflag:s0] =	ssyncadd.tile.s32 @!p0 $0x1;
	_ =	shalt  }
.Lfunc_end2:
_tile_overlayer_lowered:
.L_overlay_start_2:
0xef: {  	(tag) =	ssettag $0x2  }
0xf0: {  	s0 =	rddreg [dreg:$0x0];
	s2 =	stileid.u32  }
0xf1: {  	s1 =	rddreg [dreg:$0x1];
	p0 =	sne.s32 s2, $0x0  }
0xf2: {  	s3 =	rddreg [dreg:$0x2];
	[bflag:$0x3] =	sbarrier.arrive $0xFFFF;
	s2 =	simm.s32 @!p0 $0x1C05  }
0xf3: {  	[timem:s3], [sflag:s2] =	dma.local @!p0 [hbm:s0], s1  }
0xf4: {  	s0 =	simm.s32 @!p0 $0x5  }
0xf5: {  	_ =	swait.ge @!p0 [sflag:s0], s1  }
0xf6: {  	s1 =	ssub.s32 @!p0 $0x0, s1;
	[sflag:s0] =	ssyncset.done @!p0 $0x0  }
0xf7: {  	[sflag:s0] =	ssyncadd.s32 @!p0 s1  }
0xf8: {  	[bflag:$0x3] =	sbarrier.arrive $0xFFFF  }
0xf9: {  	_ =	shalt  }

</sc_bundles>
